<compile_context>
chip_gen: v7x
topology: tpu7x:2x2x1
jax: 0.10.2.dev20260603
libtpu: 0.0.44.dev20260713+nightly
codegen_flags: <defaults>
</compile_context>

<pallas_src>
import functools

import numpy as np
import jax
import jax.numpy as jnp
from jax import lax
from jax.experimental import pallas as pl
from jax.experimental.pallas import tpu as pltpu
from jax.experimental.pallas import tpu_sc as plsc

VOCAB = 1000000
EMBED = 64
SEQ = 200
BATCH = 4096

NC = 2
NS = 16
NW = NC * NS
TOTAL = BATCH * SEQ
ROWS_PER_W = TOTAL // NW
CHUNK = 800
NCHUNK = ROWS_PER_W // CHUNK
GATHER = 40
NGATHER = CHUNK // GATHER
LANES = 16


def _pe_table():
    pos = np.arange(SEQ, dtype=np.float32)[:, None]
    div = np.exp(np.arange(0, EMBED, 2, dtype=np.float32)
                 * (-(np.log(10000.0) / EMBED)))
    pe = np.zeros((SEQ, EMBED), dtype=np.float32)
    pe[:, 0::2] = np.sin(pos * div)
    pe[:, 1::2] = np.cos(pos * div)
    return pe


_PE = _pe_table()


def _sc_body(ids_hbm, pe_hbm, table_hbm, out_hbm, idx_v, rows_v, pe_v, gsem):
    wid = lax.axis_index("c") * NS + lax.axis_index("s")
    base = wid * ROWS_PER_W
    pltpu.sync_copy(pe_hbm, pe_v)

    @pl.loop(0, NCHUNK)
    def _chunk(ch):
        row0 = base + ch * CHUNK
        pltpu.sync_copy(ids_hbm.at[pl.ds(row0, CHUNK)], idx_v)
        copies = [
            pltpu.async_copy(
                table_hbm.at[idx_v.at[pl.ds(g * GATHER, GATHER)]],
                rows_v.at[g * GATHER // SEQ,
                          pl.ds(g * GATHER % SEQ, GATHER)],
                gsem,
            )
            for g in range(NGATHER)
        ]
        for c in copies:
            c.wait()

        @pl.loop(0, CHUNK // SEQ)
        def _seq(t):
            @pl.loop(0, SEQ)
            def _row(p):
                for q in range(EMBED // LANES):
                    sl = pl.ds(q * LANES, LANES)
                    rows_v[t, p, sl] = rows_v[t, p, sl] + pe_v[p, sl]

        pltpu.sync_copy(rows_v,
                        out_hbm.at[pl.ds(row0 // SEQ, CHUNK // SEQ), :, :])


@jax.jit
def _encode(ids_flat, table, pe):
    mesh = plsc.VectorSubcoreMesh(
        core_axis_name="c", subcore_axis_name="s",
        num_cores=NC, num_subcores=NS,
    )
    out = pl.kernel(
        _sc_body,
        out_type=jax.ShapeDtypeStruct((BATCH, SEQ, EMBED), jnp.float32),
        mesh=mesh,
        scratch_types=[
            pltpu.VMEM((CHUNK,), jnp.int32),
            pltpu.VMEM((CHUNK // SEQ, SEQ, EMBED), jnp.float32),
            pltpu.VMEM((SEQ, EMBED), jnp.float32),
            pltpu.SemaphoreType.DMA,
        ],
        compiler_params=pltpu.CompilerParams(use_tc_tiling_on_sc=False),
    )(ids_flat, pe, table)
    return out


def kernel(input_ids, token_embedding):
    ids_flat = input_ids.reshape(-1).astype(jnp.int32)
    pe = jnp.asarray(_PE)
    return _encode(ids_flat, token_embedding, pe)

# --- scband reference (transcript-rebuilt; emitter-appended) ---
"""Pipeline reference for scband-input-encoding-33543694582391 (READ-ONLY COPY).

The authoritative reference and input builder live on the scoring server;
editing this copy changes nothing except your own understanding.
"""

import jax, jax.numpy as jnp
import numpy as np

VOCAB = 1000000
EMBED = 64
MAX_SEQ = 200
BATCH = 4096
SEQ = 200


def _positional_encoding(max_seq_len, embed_dim):
    pos = jnp.arange(0, max_seq_len, dtype=jnp.float32)[:, None]
    div_term = jnp.exp(jnp.arange(0, embed_dim, 2, dtype=jnp.float32) * (-(np.log(10000.0) / embed_dim)))
    pe = jnp.zeros((max_seq_len, embed_dim), dtype=jnp.float32)
    pe = pe.at[:, 0::2].set(jnp.sin(pos * div_term))
    pe = pe.at[:, 1::2].set(jnp.cos(pos * div_term))
    return pe[None, :, :]


def setup_inputs(seed: int = 0) -> dict:
    key = jax.random.key(seed)
    k1, k2 = jax.random.split(key)
    input_ids = jax.random.randint(k1, (BATCH, SEQ), 0, VOCAB, dtype=jnp.int64 if jax.config.jax_enable_x64 else jnp.int32)
    token_embedding = jax.random.normal(k2, (VOCAB, EMBED), dtype=jnp.float32)
    return {"input_ids": input_ids, "token_embedding": token_embedding}


def reference(input_ids, token_embedding):
    token_embeds = jnp.take(token_embedding, input_ids, axis=0)
    pe = _positional_encoding(MAX_SEQ, EMBED)
    position_embeds = pe[:, :token_embeds.shape[1], :]
    return token_embeds + position_embeds

if __name__ == "__main__":
    import jax
    _d = setup_inputs()
    print(jax.jit(kernel)(*tuple(_d.values())))

</pallas_src>

<mosaic_0001>
#map = affine_map<(d0, d1) -> (0)>
#map1 = affine_map<(d0, d1) -> (0, 0)>
#map2 = affine_map<(d0, d1) -> (0, 0, 0)>
module attributes {stable_mosaic.version = 14 : i64} {
  func.func @_sc_body(%arg0: i32, %arg1: i32, %arg2: memref<819200xi32, #tpu.memory_space<hbm>>, %arg3: memref<200x64xf32, #tpu.memory_space<hbm>>, %arg4: memref<1000000x64xf32, #tpu.memory_space<hbm>>, %arg5: memref<4096x200x64xf32, #tpu.memory_space<hbm>>, %arg6: memref<800xi32, #tpu.memory_space<vmem>>, %arg7: memref<4x200x64xf32, #tpu.memory_space<vmem>>, %arg8: memref<200x64xf32, #tpu.memory_space<vmem>>, %arg9: memref<!tpu.dma_semaphore, #tpu.memory_space<semaphore_mem>>) attributes {dimension_semantics = [#tpu.dimension_semantics<core_parallel>, #tpu.dimension_semantics<subcore_parallel>], iteration_bounds = array<i64: 2, 16>, scalar_prefetch = 0 : i64, scratch_operands = 4 : i64, tpu.core_type = #tpu.core_type<sc_vector_subcore>, window_params = [{transform_indices = #map}, {transform_indices = #map1}, {transform_indices = #map1}, {transform_indices = #map2}]} {
    %mul3A = arith.constant 16 : i32
    %mul3A_0 = arith.muli %arg0, %mul3A : i32
    %add3A = arith.addi %mul3A_0, %arg1 : i32
    %mul3A_1 = arith.constant 25600 : i32
    %mul3A_2 = arith.muli %add3A, %mul3A_1 : i32
    "tpu.region"() ({
      %run_scoped3A = tpu.sem_alloc : memref<!tpu.dma_semaphore, #tpu.memory_space<semaphore_mem>>
      tpu.enqueue_dma source(%arg3 : memref<200x64xf32, #tpu.memory_space<hbm>>) target(%arg8 : memref<200x64xf32, #tpu.memory_space<vmem>>) target_semaphore(%run_scoped3A : memref<!tpu.dma_semaphore, #tpu.memory_space<semaphore_mem>>)
      tpu.wait_dma2 semaphore(%run_scoped3A : memref<!tpu.dma_semaphore, #tpu.memory_space<semaphore_mem>>) src(%arg3 : memref<200x64xf32, #tpu.memory_space<hbm>>) dst(%arg8 : memref<200x64xf32, #tpu.memory_space<vmem>>)
      tpu.yield
    }) : () -> ()
    %scan3A = arith.constant 0 : i32
    %scan3A_3 = arith.constant 32 : i32
    %scan3A_4 = arith.addi %scan3A, %scan3A_3 : i32
    %scan3A_5 = arith.constant 1 : i32
    scf.for %scan3A_7 = %scan3A to %scan3A_4 step %scan3A_5  : i32 {
      %mul3A_8 = arith.constant 1 : i32
      %mul3A_9 = arith.muli %scan3A_7, %mul3A_8 : i32
      %add3A_10 = arith.constant 0 : i32
      %add3A_11 = arith.addi %add3A_10, %mul3A_9 : i32
      %mul3A_12 = arith.constant 800 : i32
      %mul3A_13 = arith.muli %add3A_11, %mul3A_12 : i32
      %add3A_14 = arith.addi %mul3A_2, %mul3A_13 : i32
      "tpu.region"() ({
        %run_scoped3A = tpu.sem_alloc : memref<!tpu.dma_semaphore, #tpu.memory_space<semaphore_mem>>
        %dma_start3A_434 = tpu.memref_slice %arg2[%add3A_14] : memref<819200xi32, #tpu.memory_space<hbm>> -> memref<800xi32, #tpu.memory_space<hbm>>
        %dma_start3A_435 = tpu.memref_slice %arg2[%add3A_14] : memref<819200xi32, #tpu.memory_space<hbm>> -> memref<800xi32, #tpu.memory_space<hbm>>
        tpu.enqueue_dma source(%dma_start3A_435 : memref<800xi32, #tpu.memory_space<hbm>>) target(%arg6 : memref<800xi32, #tpu.memory_space<vmem>>) target_semaphore(%run_scoped3A : memref<!tpu.dma_semaphore, #tpu.memory_space<semaphore_mem>>)
        %dma_wait3A_436 = tpu.memref_slice %arg2[%add3A_14] : memref<819200xi32, #tpu.memory_space<hbm>> -> memref<800xi32, #tpu.memory_space<hbm>>
        %dma_wait3A_437 = tpu.memref_slice %arg2[%add3A_14] : memref<819200xi32, #tpu.memory_space<hbm>> -> memref<800xi32, #tpu.memory_space<hbm>>
        tpu.wait_dma2 semaphore(%run_scoped3A : memref<!tpu.dma_semaphore, #tpu.memory_space<semaphore_mem>>) src(%dma_wait3A_437 : memref<800xi32, #tpu.memory_space<hbm>>) dst(%arg6 : memref<800xi32, #tpu.memory_space<vmem>>)
        tpu.yield
      }) : () -> ()
      %dma_start3A = arith.constant 0 : i32
      %dma_start3A_15 = arith.constant 0 : i32
      %dma_start3A_16 = arith.constant 0 : i32
      %dma_start3A_17 = tpu.memref_slice %arg7[%dma_start3A, %dma_start3A_15, %dma_start3A_16] : memref<4x200x64xf32, #tpu.memory_space<vmem>> -> memref<1x40x64xf32, #tpu.memory_space<vmem>>
      %dma_start3A_18 = tpu.memref_squeeze %dma_start3A_17 : memref<1x40x64xf32, #tpu.memory_space<vmem>> -> memref<40x64xf32, #tpu.memory_space<vmem>>
      %dma_start3A_19 = arith.constant 0 : i32
      %dma_start3A_20 = tpu.memref_slice %arg6[%dma_start3A_19] : memref<800xi32, #tpu.memory_space<vmem>> -> memref<40xi32, #tpu.memory_space<vmem>>
      %dma_start3A_21 = arith.constant 0 : i32
      %dma_start3A_22 = arith.constant 0 : i32
      %dma_start3A_23 = tpu.memref_slice %arg4[%dma_start3A_21, %dma_start3A_22] : memref<1000000x64xf32, #tpu.memory_space<hbm>> -> memref<1000000x64xf32, #tpu.memory_space<hbm>>
      tpu.enqueue_indirect_dma source(%dma_start3A_23 : memref<1000000x64xf32, #tpu.memory_space<hbm>>) target(%dma_start3A_18 : memref<40x64xf32, #tpu.memory_space<vmem>>) offsets(%dma_start3A_20 : memref<40xi32, #tpu.memory_space<vmem>>) semaphore(%arg9 : memref<!tpu.dma_semaphore, #tpu.memory_space<semaphore_mem>>)
      %dma_start3A_24 = arith.constant 0 : i32
      %dma_start3A_25 = arith.constant 40 : i32
      %dma_start3A_26 = arith.constant 0 : i32
      %dma_start3A_27 = tpu.memref_slice %arg7[%dma_start3A_24, %dma_start3A_25, %dma_start3A_26] : memref<4x200x64xf32, #tpu.memory_space<vmem>> -> memref<1x40x64xf32, #tpu.memory_space<vmem>>
      %dma_start3A_28 = tpu.memref_squeeze %dma_start3A_27 : memref<1x40x64xf32, #tpu.memory_space<vmem>> -> memref<40x64xf32, #tpu.memory_space<vmem>>
      %dma_start3A_29 = arith.constant 40 : i32
      %dma_start3A_30 = tpu.memref_slice %arg6[%dma_start3A_29] : memref<800xi32, #tpu.memory_space<vmem>> -> memref<40xi32, #tpu.memory_space<vmem>>
      %dma_start3A_31 = arith.constant 0 : i32
      %dma_start3A_32 = arith.constant 0 : i32
      %dma_start3A_33 = tpu.memref_slice %arg4[%dma_start3A_31, %dma_start3A_32] : memref<1000000x64xf32, #tpu.memory_space<hbm>> -> memref<1000000x64xf32, #tpu.memory_space<hbm>>
      tpu.enqueue_indirect_dma source(%dma_start3A_33 : memref<1000000x64xf32, #tpu.memory_space<hbm>>) target(%dma_start3A_28 : memref<40x64xf32, #tpu.memory_space<vmem>>) offsets(%dma_start3A_30 : memref<40xi32, #tpu.memory_space<vmem>>) semaphore(%arg9 : memref<!tpu.dma_semaphore, #tpu.memory_space<semaphore_mem>>)
      %dma_start3A_34 = arith.constant 0 : i32
      %dma_start3A_35 = arith.constant 80 : i32
      %dma_start3A_36 = arith.constant 0 : i32
      %dma_start3A_37 = tpu.memref_slice %arg7[%dma_start3A_34, %dma_start3A_35, %dma_start3A_36] : memref<4x200x64xf32, #tpu.memory_space<vmem>> -> memref<1x40x64xf32, #tpu.memory_space<vmem>>
      %dma_start3A_38 = tpu.memref_squeeze %dma_start3A_37 : memref<1x40x64xf32, #tpu.memory_space<vmem>> -> memref<40x64xf32, #tpu.memory_space<vmem>>
      %dma_start3A_39 = arith.constant 80 : i32
      %dma_start3A_40 = tpu.memref_slice %arg6[%dma_start3A_39] : memref<800xi32, #tpu.memory_space<vmem>> -> memref<40xi32, #tpu.memory_space<vmem>>
      %dma_start3A_41 = arith.constant 0 : i32
      %dma_start3A_42 = arith.constant 0 : i32
      %dma_start3A_43 = tpu.memref_slice %arg4[%dma_start3A_41, %dma_start3A_42] : memref<1000000x64xf32, #tpu.memory_space<hbm>> -> memref<1000000x64xf32, #tpu.memory_space<hbm>>
      tpu.enqueue_indirect_dma source(%dma_start3A_43 : memref<1000000x64xf32, #tpu.memory_space<hbm>>) target(%dma_start3A_38 : memref<40x64xf32, #tpu.memory_space<vmem>>) offsets(%dma_start3A_40 : memref<40xi32, #tpu.memory_space<vmem>>) semaphore(%arg9 : memref<!tpu.dma_semaphore, #tpu.memory_space<semaphore_mem>>)
      %dma_start3A_44 = arith.constant 0 : i32
      %dma_start3A_45 = arith.constant 120 : i32
      %dma_start3A_46 = arith.constant 0 : i32
      %dma_start3A_47 = tpu.memref_slice %arg7[%dma_start3A_44, %dma_start3A_45, %dma_start3A_46] : memref<4x200x64xf32, #tpu.memory_space<vmem>> -> memref<1x40x64xf32, #tpu.memory_space<vmem>>
      %dma_start3A_48 = tpu.memref_squeeze %dma_start3A_47 : memref<1x40x64xf32, #tpu.memory_space<vmem>> -> memref<40x64xf32, #tpu.memory_space<vmem>>
      %dma_start3A_49 = arith.constant 120 : i32
      %dma_start3A_50 = tpu.memref_slice %arg6[%dma_start3A_49] : memref<800xi32, #tpu.memory_space<vmem>> -> memref<40xi32, #tpu.memory_space<vmem>>
      %dma_start3A_51 = arith.constant 0 : i32
      %dma_start3A_52 = arith.constant 0 : i32
      %dma_start3A_53 = tpu.memref_slice %arg4[%dma_start3A_51, %dma_start3A_52] : memref<1000000x64xf32, #tpu.memory_space<hbm>> -> memref<1000000x64xf32, #tpu.memory_space<hbm>>
      tpu.enqueue_indirect_dma source(%dma_start3A_53 : memref<1000000x64xf32, #tpu.memory_space<hbm>>) target(%dma_start3A_48 : memref<40x64xf32, #tpu.memory_space<vmem>>) offsets(%dma_start3A_50 : memref<40xi32, #tpu.memory_space<vmem>>) semaphore(%arg9 : memref<!tpu.dma_semaphore, #tpu.memory_space<semaphore_mem>>)
      %dma_start3A_54 = arith.constant 0 : i32
      %dma_start3A_55 = arith.constant 160 : i32
      %dma_start3A_56 = arith.constant 0 : i32
      %dma_start3A_57 = tpu.memref_slice %arg7[%dma_start3A_54, %dma_start3A_55, %dma_start3A_56] : memref<4x200x64xf32, #tpu.memory_space<vmem>> -> memref<1x40x64xf32, #tpu.memory_space<vmem>>
      %dma_start3A_58 = tpu.memref_squeeze %dma_start3A_57 : memref<1x40x64xf32, #tpu.memory_space<vmem>> -> memref<40x64xf32, #tpu.memory_space<vmem>>
      %dma_start3A_59 = arith.constant 160 : i32
      %dma_start3A_60 = tpu.memref_slice %arg6[%dma_start3A_59] : memref<800xi32, #tpu.memory_space<vmem>> -> memref<40xi32, #tpu.memory_space<vmem>>
      %dma_start3A_61 = arith.constant 0 : i32
      %dma_start3A_62 = arith.constant 0 : i32
      %dma_start3A_63 = tpu.memref_slice %arg4[%dma_start3A_61, %dma_start3A_62] : memref<1000000x64xf32, #tpu.memory_space<hbm>> -> memref<1000000x64xf32, #tpu.memory_space<hbm>>
      tpu.enqueue_indirect_dma source(%dma_start3A_63 : memref<1000000x64xf32, #tpu.memory_space<hbm>>) target(%dma_start3A_58 : memref<40x64xf32, #tpu.memory_space<vmem>>) offsets(%dma_start3A_60 : memref<40xi32, #tpu.memory_space<vmem>>) semaphore(%arg9 : memref<!tpu.dma_semaphore, #tpu.memory_space<semaphore_mem>>)
      %dma_start3A_64 = arith.constant 1 : i32
      %dma_start3A_65 = arith.constant 0 : i32
      %dma_start3A_66 = arith.constant 0 : i32
      %dma_start3A_67 = tpu.memref_slice %arg7[%dma_start3A_64, %dma_start3A_65, %dma_start3A_66] : memref<4x200x64xf32, #tpu.memory_space<vmem>> -> memref<1x40x64xf32, #tpu.memory_space<vmem>>
      %dma_start3A_68 = tpu.memref_squeeze %dma_start3A_67 : memref<1x40x64xf32, #tpu.memory_space<vmem>> -> memref<40x64xf32, #tpu.memory_space<vmem>>
      %dma_start3A_69 = arith.constant 200 : i32
      %dma_start3A_70 = tpu.memref_slice %arg6[%dma_start3A_69] : memref<800xi32, #tpu.memory_space<vmem>> -> memref<40xi32, #tpu.memory_space<vmem>>
      %dma_start3A_71 = arith.constant 0 : i32
      %dma_start3A_72 = arith.constant 0 : i32
      %dma_start3A_73 = tpu.memref_slice %arg4[%dma_start3A_71, %dma_start3A_72] : memref<1000000x64xf32, #tpu.memory_space<hbm>> -> memref<1000000x64xf32, #tpu.memory_space<hbm>>
      tpu.enqueue_indirect_dma source(%dma_start3A_73 : memref<1000000x64xf32, #tpu.memory_space<hbm>>) target(%dma_start3A_68 : memref<40x64xf32, #tpu.memory_space<vmem>>) offsets(%dma_start3A_70 : memref<40xi32, #tpu.memory_space<vmem>>) semaphore(%arg9 : memref<!tpu.dma_semaphore, #tpu.memory_space<semaphore_mem>>)
      %dma_start3A_74 = arith.constant 1 : i32
      %dma_start3A_75 = arith.constant 40 : i32
      %dma_start3A_76 = arith.constant 0 : i32
      %dma_start3A_77 = tpu.memref_slice %arg7[%dma_start3A_74, %dma_start3A_75, %dma_start3A_76] : memref<4x200x64xf32, #tpu.memory_space<vmem>> -> memref<1x40x64xf32, #tpu.memory_space<vmem>>
      %dma_start3A_78 = tpu.memref_squeeze %dma_start3A_77 : memref<1x40x64xf32, #tpu.memory_space<vmem>> -> memref<40x64xf32, #tpu.memory_space<vmem>>
      %dma_start3A_79 = arith.constant 240 : i32
      %dma_start3A_80 = tpu.memref_slice %arg6[%dma_start3A_79] : memref<800xi32, #tpu.memory_space<vmem>> -> memref<40xi32, #tpu.memory_space<vmem>>
      %dma_start3A_81 = arith.constant 0 : i32
      %dma_start3A_82 = arith.constant 0 : i32
      %dma_start3A_83 = tpu.memref_slice %arg4[%dma_start3A_81, %dma_start3A_82] : memref<1000000x64xf32, #tpu.memory_space<hbm>> -> memref<1000000x64xf32, #tpu.memory_space<hbm>>
      tpu.enqueue_indirect_dma source(%dma_start3A_83 : memref<1000000x64xf32, #tpu.memory_space<hbm>>) target(%dma_start3A_78 : memref<40x64xf32, #tpu.memory_space<vmem>>) offsets(%dma_start3A_80 : memref<40xi32, #tpu.memory_space<vmem>>) semaphore(%arg9 : memref<!tpu.dma_semaphore, #tpu.memory_space<semaphore_mem>>)
      %dma_start3A_84 = arith.constant 1 : i32
      %dma_start3A_85 = arith.constant 80 : i32
      %dma_start3A_86 = arith.constant 0 : i32
      %dma_start3A_87 = tpu.memref_slice %arg7[%dma_start3A_84, %dma_start3A_85, %dma_start3A_86] : memref<4x200x64xf32, #tpu.memory_space<vmem>> -> memref<1x40x64xf32, #tpu.memory_space<vmem>>
      %dma_start3A_88 = tpu.memref_squeeze %dma_start3A_87 : memref<1x40x64xf32, #tpu.memory_space<vmem>> -> memref<40x64xf32, #tpu.memory_space<vmem>>
      %dma_start3A_89 = arith.constant 280 : i32
      %dma_start3A_90 = tpu.memref_slice %arg6[%dma_start3A_89] : memref<800xi32, #tpu.memory_space<vmem>> -> memref<40xi32, #tpu.memory_space<vmem>>
      %dma_start3A_91 = arith.constant 0 : i32
      %dma_start3A_92 = arith.constant 0 : i32
      %dma_start3A_93 = tpu.memref_slice %arg4[%dma_start3A_91, %dma_start3A_92] : memref<1000000x64xf32, #tpu.memory_space<hbm>> -> memref<1000000x64xf32, #tpu.memory_space<hbm>>
      tpu.enqueue_indirect_dma source(%dma_start3A_93 : memref<1000000x64xf32, #tpu.memory_space<hbm>>) target(%dma_start3A_88 : memref<40x64xf32, #tpu.memory_space<vmem>>) offsets(%dma_start3A_90 : memref<40xi32, #tpu.memory_space<vmem>>) semaphore(%arg9 : memref<!tpu.dma_semaphore, #tpu.memory_space<semaphore_mem>>)
      %dma_start3A_94 = arith.constant 1 : i32
      %dma_start3A_95 = arith.constant 120 : i32
      %dma_start3A_96 = arith.constant 0 : i32
      %dma_start3A_97 = tpu.memref_slice %arg7[%dma_start3A_94, %dma_start3A_95, %dma_start3A_96] : memref<4x200x64xf32, #tpu.memory_space<vmem>> -> memref<1x40x64xf32, #tpu.memory_space<vmem>>
      %dma_start3A_98 = tpu.memref_squeeze %dma_start3A_97 : memref<1x40x64xf32, #tpu.memory_space<vmem>> -> memref<40x64xf32, #tpu.memory_space<vmem>>
      %dma_start3A_99 = arith.constant 320 : i32
      %dma_start3A_100 = tpu.memref_slice %arg6[%dma_start3A_99] : memref<800xi32, #tpu.memory_space<vmem>> -> memref<40xi32, #tpu.memory_space<vmem>>
      %dma_start3A_101 = arith.constant 0 : i32
      %dma_start3A_102 = arith.constant 0 : i32
      %dma_start3A_103 = tpu.memref_slice %arg4[%dma_start3A_101, %dma_start3A_102] : memref<1000000x64xf32, #tpu.memory_space<hbm>> -> memref<1000000x64xf32, #tpu.memory_space<hbm>>
      tpu.enqueue_indirect_dma source(%dma_start3A_103 : memref<1000000x64xf32, #tpu.memory_space<hbm>>) target(%dma_start3A_98 : memref<40x64xf32, #tpu.memory_space<vmem>>) offsets(%dma_start3A_100 : memref<40xi32, #tpu.memory_space<vmem>>) semaphore(%arg9 : memref<!tpu.dma_semaphore, #tpu.memory_space<semaphore_mem>>)
      %dma_start3A_104 = arith.constant 1 : i32
      %dma_start3A_105 = arith.constant 160 : i32
      %dma_start3A_106 = arith.constant 0 : i32
      %dma_start3A_107 = tpu.memref_slice %arg7[%dma_start3A_104, %dma_start3A_105, %dma_start3A_106] : memref<4x200x64xf32, #tpu.memory_space<vmem>> -> memref<1x40x64xf32, #tpu.memory_space<vmem>>
      %dma_start3A_108 = tpu.memref_squeeze %dma_start3A_107 : memref<1x40x64xf32, #tpu.memory_space<vmem>> -> memref<40x64xf32, #tpu.memory_space<vmem>>
      %dma_start3A_109 = arith.constant 360 : i32
      %dma_start3A_110 = tpu.memref_slice %arg6[%dma_start3A_109] : memref<800xi32, #tpu.memory_space<vmem>> -> memref<40xi32, #tpu.memory_space<vmem>>
      %dma_start3A_111 = arith.constant 0 : i32
      %dma_start3A_112 = arith.constant 0 : i32
      %dma_start3A_113 = tpu.memref_slice %arg4[%dma_start3A_111, %dma_start3A_112] : memref<1000000x64xf32, #tpu.memory_space<hbm>> -> memref<1000000x64xf32, #tpu.memory_space<hbm>>
      tpu.enqueue_indirect_dma source(%dma_start3A_113 : memref<1000000x64xf32, #tpu.memory_space<hbm>>) target(%dma_start3A_108 : memref<40x64xf32, #tpu.memory_space<vmem>>) offsets(%dma_start3A_110 : memref<40xi32, #tpu.memory_space<vmem>>) semaphore(%arg9 : memref<!tpu.dma_semaphore, #tpu.memory_space<semaphore_mem>>)
      %dma_start3A_114 = arith.constant 2 : i32
      %dma_start3A_115 = arith.constant 0 : i32
      %dma_start3A_116 = arith.constant 0 : i32
      %dma_start3A_117 = tpu.memref_slice %arg7[%dma_start3A_114, %dma_start3A_115, %dma_start3A_116] : memref<4x200x64xf32, #tpu.memory_space<vmem>> -> memref<1x40x64xf32, #tpu.memory_space<vmem>>
      %dma_start3A_118 = tpu.memref_squeeze %dma_start3A_117 : memref<1x40x64xf32, #tpu.memory_space<vmem>> -> memref<40x64xf32, #tpu.memory_space<vmem>>
      %dma_start3A_119 = arith.constant 400 : i32
      %dma_start3A_120 = tpu.memref_slice %arg6[%dma_start3A_119] : memref<800xi32, #tpu.memory_space<vmem>> -> memref<40xi32, #tpu.memory_space<vmem>>
      %dma_start3A_121 = arith.constant 0 : i32
      %dma_start3A_122 = arith.constant 0 : i32
      %dma_start3A_123 = tpu.memref_slice %arg4[%dma_start3A_121, %dma_start3A_122] : memref<1000000x64xf32, #tpu.memory_space<hbm>> -> memref<1000000x64xf32, #tpu.memory_space<hbm>>
      tpu.enqueue_indirect_dma source(%dma_start3A_123 : memref<1000000x64xf32, #tpu.memory_space<hbm>>) target(%dma_start3A_118 : memref<40x64xf32, #tpu.memory_space<vmem>>) offsets(%dma_start3A_120 : memref<40xi32, #tpu.memory_space<vmem>>) semaphore(%arg9 : memref<!tpu.dma_semaphore, #tpu.memory_space<semaphore_mem>>)
      %dma_start3A_124 = arith.constant 2 : i32
      %dma_start3A_125 = arith.constant 40 : i32
      %dma_start3A_126 = arith.constant 0 : i32
      %dma_start3A_127 = tpu.memref_slice %arg7[%dma_start3A_124, %dma_start3A_125, %dma_start3A_126] : memref<4x200x64xf32, #tpu.memory_space<vmem>> -> memref<1x40x64xf32, #tpu.memory_space<vmem>>
      %dma_start3A_128 = tpu.memref_squeeze %dma_start3A_127 : memref<1x40x64xf32, #tpu.memory_space<vmem>> -> memref<40x64xf32, #tpu.memory_space<vmem>>
      %dma_start3A_129 = arith.constant 440 : i32
      %dma_start3A_130 = tpu.memref_slice %arg6[%dma_start3A_129] : memref<800xi32, #tpu.memory_space<vmem>> -> memref<40xi32, #tpu.memory_space<vmem>>
      %dma_start3A_131 = arith.constant 0 : i32
      %dma_start3A_132 = arith.constant 0 : i32
      %dma_start3A_133 = tpu.memref_slice %arg4[%dma_start3A_131, %dma_start3A_132] : memref<1000000x64xf32, #tpu.memory_space<hbm>> -> memref<1000000x64xf32, #tpu.memory_space<hbm>>
      tpu.enqueue_indirect_dma source(%dma_start3A_133 : memref<1000000x64xf32, #tpu.memory_space<hbm>>) target(%dma_start3A_128 : memref<40x64xf32, #tpu.memory_space<vmem>>) offsets(%dma_start3A_130 : memref<40xi32, #tpu.memory_space<vmem>>) semaphore(%arg9 : memref<!tpu.dma_semaphore, #tpu.memory_space<semaphore_mem>>)
      %dma_start3A_134 = arith.constant 2 : i32
      %dma_start3A_135 = arith.constant 80 : i32
      %dma_start3A_136 = arith.constant 0 : i32
      %dma_start3A_137 = tpu.memref_slice %arg7[%dma_start3A_134, %dma_start3A_135, %dma_start3A_136] : memref<4x200x64xf32, #tpu.memory_space<vmem>> -> memref<1x40x64xf32, #tpu.memory_space<vmem>>
      %dma_start3A_138 = tpu.memref_squeeze %dma_start3A_137 : memref<1x40x64xf32, #tpu.memory_space<vmem>> -> memref<40x64xf32, #tpu.memory_space<vmem>>
      %dma_start3A_139 = arith.constant 480 : i32
      %dma_start3A_140 = tpu.memref_slice %arg6[%dma_start3A_139] : memref<800xi32, #tpu.memory_space<vmem>> -> memref<40xi32, #tpu.memory_space<vmem>>
      %dma_start3A_141 = arith.constant 0 : i32
      %dma_start3A_142 = arith.constant 0 : i32
      %dma_start3A_143 = tpu.memref_slice %arg4[%dma_start3A_141, %dma_start3A_142] : memref<1000000x64xf32, #tpu.memory_space<hbm>> -> memref<1000000x64xf32, #tpu.memory_space<hbm>>
      tpu.enqueue_indirect_dma source(%dma_start3A_143 : memref<1000000x64xf32, #tpu.memory_space<hbm>>) target(%dma_start3A_138 : memref<40x64xf32, #tpu.memory_space<vmem>>) offsets(%dma_start3A_140 : memref<40xi32, #tpu.memory_space<vmem>>) semaphore(%arg9 : memref<!tpu.dma_semaphore, #tpu.memory_space<semaphore_mem>>)
      %dma_start3A_144 = arith.constant 2 : i32
      %dma_start3A_145 = arith.constant 120 : i32
      %dma_start3A_146 = arith.constant 0 : i32
      %dma_start3A_147 = tpu.memref_slice %arg7[%dma_start3A_144, %dma_start3A_145, %dma_start3A_146] : memref<4x200x64xf32, #tpu.memory_space<vmem>> -> memref<1x40x64xf32, #tpu.memory_space<vmem>>
      %dma_start3A_148 = tpu.memref_squeeze %dma_start3A_147 : memref<1x40x64xf32, #tpu.memory_space<vmem>> -> memref<40x64xf32, #tpu.memory_space<vmem>>
      %dma_start3A_149 = arith.constant 520 : i32
      %dma_start3A_150 = tpu.memref_slice %arg6[%dma_start3A_149] : memref<800xi32, #tpu.memory_space<vmem>> -> memref<40xi32, #tpu.memory_space<vmem>>
      %dma_start3A_151 = arith.constant 0 : i32
      %dma_start3A_152 = arith.constant 0 : i32
      %dma_start3A_153 = tpu.memref_slice %arg4[%dma_start3A_151, %dma_start3A_152] : memref<1000000x64xf32, #tpu.memory_space<hbm>> -> memref<1000000x64xf32, #tpu.memory_space<hbm>>
      tpu.enqueue_indirect_dma source(%dma_start3A_153 : memref<1000000x64xf32, #tpu.memory_space<hbm>>) target(%dma_start3A_148 : memref<40x64xf32, #tpu.memory_space<vmem>>) offsets(%dma_start3A_150 : memref<40xi32, #tpu.memory_space<vmem>>) semaphore(%arg9 : memref<!tpu.dma_semaphore, #tpu.memory_space<semaphore_mem>>)
      %dma_start3A_154 = arith.constant 2 : i32
      %dma_start3A_155 = arith.constant 160 : i32
      %dma_start3A_156 = arith.constant 0 : i32
      %dma_start3A_157 = tpu.memref_slice %arg7[%dma_start3A_154, %dma_start3A_155, %dma_start3A_156] : memref<4x200x64xf32, #tpu.memory_space<vmem>> -> memref<1x40x64xf32, #tpu.memory_space<vmem>>
      %dma_start3A_158 = tpu.memref_squeeze %dma_start3A_157 : memref<1x40x64xf32, #tpu.memory_space<vmem>> -> memref<40x64xf32, #tpu.memory_space<vmem>>
      %dma_start3A_159 = arith.constant 560 : i32
      %dma_start3A_160 = tpu.memref_slice %arg6[%dma_start3A_159] : memref<800xi32, #tpu.memory_space<vmem>> -> memref<40xi32, #tpu.memory_space<vmem>>
      %dma_start3A_161 = arith.constant 0 : i32
      %dma_start3A_162 = arith.constant 0 : i32
      %dma_start3A_163 = tpu.memref_slice %arg4[%dma_start3A_161, %dma_start3A_162] : memref<1000000x64xf32, #tpu.memory_space<hbm>> -> memref<1000000x64xf32, #tpu.memory_space<hbm>>
      tpu.enqueue_indirect_dma source(%dma_start3A_163 : memref<1000000x64xf32, #tpu.memory_space<hbm>>) target(%dma_start3A_158 : memref<40x64xf32, #tpu.memory_space<vmem>>) offsets(%dma_start3A_160 : memref<40xi32, #tpu.memory_space<vmem>>) semaphore(%arg9 : memref<!tpu.dma_semaphore, #tpu.memory_space<semaphore_mem>>)
      %dma_start3A_164 = arith.constant 3 : i32
      %dma_start3A_165 = arith.constant 0 : i32
      %dma_start3A_166 = arith.constant 0 : i32
      %dma_start3A_167 = tpu.memref_slice %arg7[%dma_start3A_164, %dma_start3A_165, %dma_start3A_166] : memref<4x200x64xf32, #tpu.memory_space<vmem>> -> memref<1x40x64xf32, #tpu.memory_space<vmem>>
      %dma_start3A_168 = tpu.memref_squeeze %dma_start3A_167 : memref<1x40x64xf32, #tpu.memory_space<vmem>> -> memref<40x64xf32, #tpu.memory_space<vmem>>
      %dma_start3A_169 = arith.constant 600 : i32
      %dma_start3A_170 = tpu.memref_slice %arg6[%dma_start3A_169] : memref<800xi32, #tpu.memory_space<vmem>> -> memref<40xi32, #tpu.memory_space<vmem>>
      %dma_start3A_171 = arith.constant 0 : i32
      %dma_start3A_172 = arith.constant 0 : i32
      %dma_start3A_173 = tpu.memref_slice %arg4[%dma_start3A_171, %dma_start3A_172] : memref<1000000x64xf32, #tpu.memory_space<hbm>> -> memref<1000000x64xf32, #tpu.memory_space<hbm>>
      tpu.enqueue_indirect_dma source(%dma_start3A_173 : memref<1000000x64xf32, #tpu.memory_space<hbm>>) target(%dma_start3A_168 : memref<40x64xf32, #tpu.memory_space<vmem>>) offsets(%dma_start3A_170 : memref<40xi32, #tpu.memory_space<vmem>>) semaphore(%arg9 : memref<!tpu.dma_semaphore, #tpu.memory_space<semaphore_mem>>)
      %dma_start3A_174 = arith.constant 3 : i32
      %dma_start3A_175 = arith.constant 40 : i32
      %dma_start3A_176 = arith.constant 0 : i32
      %dma_start3A_177 = tpu.memref_slice %arg7[%dma_start3A_174, %dma_start3A_175, %dma_start3A_176] : memref<4x200x64xf32, #tpu.memory_space<vmem>> -> memref<1x40x64xf32, #tpu.memory_space<vmem>>
      %dma_start3A_178 = tpu.memref_squeeze %dma_start3A_177 : memref<1x40x64xf32, #tpu.memory_space<vmem>> -> memref<40x64xf32, #tpu.memory_space<vmem>>
      %dma_start3A_179 = arith.constant 640 : i32
      %dma_start3A_180 = tpu.memref_slice %arg6[%dma_start3A_179] : memref<800xi32, #tpu.memory_space<vmem>> -> memref<40xi32, #tpu.memory_space<vmem>>
      %dma_start3A_181 = arith.constant 0 : i32
      %dma_start3A_182 = arith.constant 0 : i32
      %dma_start3A_183 = tpu.memref_slice %arg4[%dma_start3A_181, %dma_start3A_182] : memref<1000000x64xf32, #tpu.memory_space<hbm>> -> memref<1000000x64xf32, #tpu.memory_space<hbm>>
      tpu.enqueue_indirect_dma source(%dma_start3A_183 : memref<1000000x64xf32, #tpu.memory_space<hbm>>) target(%dma_start3A_178 : memref<40x64xf32, #tpu.memory_space<vmem>>) offsets(%dma_start3A_180 : memref<40xi32, #tpu.memory_space<vmem>>) semaphore(%arg9 : memref<!tpu.dma_semaphore, #tpu.memory_space<semaphore_mem>>)
      %dma_start3A_184 = arith.constant 3 : i32
      %dma_start3A_185 = arith.constant 80 : i32
      %dma_start3A_186 = arith.constant 0 : i32
      %dma_start3A_187 = tpu.memref_slice %arg7[%dma_start3A_184, %dma_start3A_185, %dma_start3A_186] : memref<4x200x64xf32, #tpu.memory_space<vmem>> -> memref<1x40x64xf32, #tpu.memory_space<vmem>>
      %dma_start3A_188 = tpu.memref_squeeze %dma_start3A_187 : memref<1x40x64xf32, #tpu.memory_space<vmem>> -> memref<40x64xf32, #tpu.memory_space<vmem>>
      %dma_start3A_189 = arith.constant 680 : i32
      %dma_start3A_190 = tpu.memref_slice %arg6[%dma_start3A_189] : memref<800xi32, #tpu.memory_space<vmem>> -> memref<40xi32, #tpu.memory_space<vmem>>
      %dma_start3A_191 = arith.constant 0 : i32
      %dma_start3A_192 = arith.constant 0 : i32
      %dma_start3A_193 = tpu.memref_slice %arg4[%dma_start3A_191, %dma_start3A_192] : memref<1000000x64xf32, #tpu.memory_space<hbm>> -> memref<1000000x64xf32, #tpu.memory_space<hbm>>
      tpu.enqueue_indirect_dma source(%dma_start3A_193 : memref<1000000x64xf32, #tpu.memory_space<hbm>>) target(%dma_start3A_188 : memref<40x64xf32, #tpu.memory_space<vmem>>) offsets(%dma_start3A_190 : memref<40xi32, #tpu.memory_space<vmem>>) semaphore(%arg9 : memref<!tpu.dma_semaphore, #tpu.memory_space<semaphore_mem>>)
      %dma_start3A_194 = arith.constant 3 : i32
      %dma_start3A_195 = arith.constant 120 : i32
      %dma_start3A_196 = arith.constant 0 : i32
      %dma_start3A_197 = tpu.memref_slice %arg7[%dma_start3A_194, %dma_start3A_195, %dma_start3A_196] : memref<4x200x64xf32, #tpu.memory_space<vmem>> -> memref<1x40x64xf32, #tpu.memory_space<vmem>>
      %dma_start3A_198 = tpu.memref_squeeze %dma_start3A_197 : memref<1x40x64xf32, #tpu.memory_space<vmem>> -> memref<40x64xf32, #tpu.memory_space<vmem>>
      %dma_start3A_199 = arith.constant 720 : i32
      %dma_start3A_200 = tpu.memref_slice %arg6[%dma_start3A_199] : memref<800xi32, #tpu.memory_space<vmem>> -> memref<40xi32, #tpu.memory_space<vmem>>
      %dma_start3A_201 = arith.constant 0 : i32
      %dma_start3A_202 = arith.constant 0 : i32
      %dma_start3A_203 = tpu.memref_slice %arg4[%dma_start3A_201, %dma_start3A_202] : memref<1000000x64xf32, #tpu.memory_space<hbm>> -> memref<1000000x64xf32, #tpu.memory_space<hbm>>
      tpu.enqueue_indirect_dma source(%dma_start3A_203 : memref<1000000x64xf32, #tpu.memory_space<hbm>>) target(%dma_start3A_198 : memref<40x64xf32, #tpu.memory_space<vmem>>) offsets(%dma_start3A_200 : memref<40xi32, #tpu.memory_space<vmem>>) semaphore(%arg9 : memref<!tpu.dma_semaphore, #tpu.memory_space<semaphore_mem>>)
      %dma_start3A_204 = arith.constant 3 : i32
      %dma_start3A_205 = arith.constant 160 : i32
      %dma_start3A_206 = arith.constant 0 : i32
      %dma_start3A_207 = tpu.memref_slice %arg7[%dma_start3A_204, %dma_start3A_205, %dma_start3A_206] : memref<4x200x64xf32, #tpu.memory_space<vmem>> -> memref<1x40x64xf32, #tpu.memory_space<vmem>>
      %dma_start3A_208 = tpu.memref_squeeze %dma_start3A_207 : memref<1x40x64xf32, #tpu.memory_space<vmem>> -> memref<40x64xf32, #tpu.memory_space<vmem>>
      %dma_start3A_209 = arith.constant 760 : i32
      %dma_start3A_210 = tpu.memref_slice %arg6[%dma_start3A_209] : memref<800xi32, #tpu.memory_space<vmem>> -> memref<40xi32, #tpu.memory_space<vmem>>
      %dma_start3A_211 = arith.constant 0 : i32
      %dma_start3A_212 = arith.constant 0 : i32
      %dma_start3A_213 = tpu.memref_slice %arg4[%dma_start3A_211, %dma_start3A_212] : memref<1000000x64xf32, #tpu.memory_space<hbm>> -> memref<1000000x64xf32, #tpu.memory_space<hbm>>
      tpu.enqueue_indirect_dma source(%dma_start3A_213 : memref<1000000x64xf32, #tpu.memory_space<hbm>>) target(%dma_start3A_208 : memref<40x64xf32, #tpu.memory_space<vmem>>) offsets(%dma_start3A_210 : memref<40xi32, #tpu.memory_space<vmem>>) semaphore(%arg9 : memref<!tpu.dma_semaphore, #tpu.memory_space<semaphore_mem>>)
      %dma_wait3A = arith.constant 0 : i32
      %dma_wait3A_214 = arith.constant 0 : i32
      %dma_wait3A_215 = arith.constant 0 : i32
      %dma_wait3A_216 = tpu.memref_slice %arg7[%dma_wait3A, %dma_wait3A_214, %dma_wait3A_215] : memref<4x200x64xf32, #tpu.memory_space<vmem>> -> memref<1x40x64xf32, #tpu.memory_space<vmem>>
      %dma_wait3A_217 = tpu.memref_squeeze %dma_wait3A_216 : memref<1x40x64xf32, #tpu.memory_space<vmem>> -> memref<40x64xf32, #tpu.memory_space<vmem>>
      %dma_wait3A_218 = arith.constant 0 : i32
      %dma_wait3A_219 = tpu.memref_slice %arg6[%dma_wait3A_218] : memref<800xi32, #tpu.memory_space<vmem>> -> memref<40xi32, #tpu.memory_space<vmem>>
      %dma_wait3A_220 = arith.constant 0 : i32
      %dma_wait3A_221 = arith.constant 0 : i32
      %dma_wait3A_222 = tpu.memref_slice %arg4[%dma_wait3A_220, %dma_wait3A_221] : memref<1000000x64xf32, #tpu.memory_space<hbm>> -> memref<1000000x64xf32, #tpu.memory_space<hbm>>
      tpu.wait_indirect_dma semaphore(%arg9 : memref<!tpu.dma_semaphore, #tpu.memory_space<semaphore_mem>>) src(%dma_wait3A_222 : memref<1000000x64xf32, #tpu.memory_space<hbm>>) dst(%dma_wait3A_217 : memref<40x64xf32, #tpu.memory_space<vmem>>)
      %dma_wait3A_223 = arith.constant 0 : i32
      %dma_wait3A_224 = arith.constant 40 : i32
      %dma_wait3A_225 = arith.constant 0 : i32
      %dma_wait3A_226 = tpu.memref_slice %arg7[%dma_wait3A_223, %dma_wait3A_224, %dma_wait3A_225] : memref<4x200x64xf32, #tpu.memory_space<vmem>> -> memref<1x40x64xf32, #tpu.memory_space<vmem>>
      %dma_wait3A_227 = tpu.memref_squeeze %dma_wait3A_226 : memref<1x40x64xf32, #tpu.memory_space<vmem>> -> memref<40x64xf32, #tpu.memory_space<vmem>>
      %dma_wait3A_228 = arith.constant 40 : i32
      %dma_wait3A_229 = tpu.memref_slice %arg6[%dma_wait3A_228] : memref<800xi32, #tpu.memory_space<vmem>> -> memref<40xi32, #tpu.memory_space<vmem>>
      %dma_wait3A_230 = arith.constant 0 : i32
      %dma_wait3A_231 = arith.constant 0 : i32
      %dma_wait3A_232 = tpu.memref_slice %arg4[%dma_wait3A_230, %dma_wait3A_231] : memref<1000000x64xf32, #tpu.memory_space<hbm>> -> memref<1000000x64xf32, #tpu.memory_space<hbm>>
      tpu.wait_indirect_dma semaphore(%arg9 : memref<!tpu.dma_semaphore, #tpu.memory_space<semaphore_mem>>) src(%dma_wait3A_232 : memref<1000000x64xf32, #tpu.memory_space<hbm>>) dst(%dma_wait3A_227 : memref<40x64xf32, #tpu.memory_space<vmem>>)
      %dma_wait3A_233 = arith.constant 0 : i32
      %dma_wait3A_234 = arith.constant 80 : i32
      %dma_wait3A_235 = arith.constant 0 : i32
      %dma_wait3A_236 = tpu.memref_slice %arg7[%dma_wait3A_233, %dma_wait3A_234, %dma_wait3A_235] : memref<4x200x64xf32, #tpu.memory_space<vmem>> -> memref<1x40x64xf32, #tpu.memory_space<vmem>>
      %dma_wait3A_237 = tpu.memref_squeeze %dma_wait3A_236 : memref<1x40x64xf32, #tpu.memory_space<vmem>> -> memref<40x64xf32, #tpu.memory_space<vmem>>
      %dma_wait3A_238 = arith.constant 80 : i32
      %dma_wait3A_239 = tpu.memref_slice %arg6[%dma_wait3A_238] : memref<800xi32, #tpu.memory_space<vmem>> -> memref<40xi32, #tpu.memory_space<vmem>>
      %dma_wait3A_240 = arith.constant 0 : i32
      %dma_wait3A_241 = arith.constant 0 : i32
      %dma_wait3A_242 = tpu.memref_slice %arg4[%dma_wait3A_240, %dma_wait3A_241] : memref<1000000x64xf32, #tpu.memory_space<hbm>> -> memref<1000000x64xf32, #tpu.memory_space<hbm>>
      tpu.wait_indirect_dma semaphore(%arg9 : memref<!tpu.dma_semaphore, #tpu.memory_space<semaphore_mem>>) src(%dma_wait3A_242 : memref<1000000x64xf32, #tpu.memory_space<hbm>>) dst(%dma_wait3A_237 : memref<40x64xf32, #tpu.memory_space<vmem>>)
      %dma_wait3A_243 = arith.constant 0 : i32
      %dma_wait3A_244 = arith.constant 120 : i32
      %dma_wait3A_245 = arith.constant 0 : i32
      %dma_wait3A_246 = tpu.memref_slice %arg7[%dma_wait3A_243, %dma_wait3A_244, %dma_wait3A_245] : memref<4x200x64xf32, #tpu.memory_space<vmem>> -> memref<1x40x64xf32, #tpu.memory_space<vmem>>
      %dma_wait3A_247 = tpu.memref_squeeze %dma_wait3A_246 : memref<1x40x64xf32, #tpu.memory_space<vmem>> -> memref<40x64xf32, #tpu.memory_space<vmem>>
      %dma_wait3A_248 = arith.constant 120 : i32
      %dma_wait3A_249 = tpu.memref_slice %arg6[%dma_wait3A_248] : memref<800xi32, #tpu.memory_space<vmem>> -> memref<40xi32, #tpu.memory_space<vmem>>
      %dma_wait3A_250 = arith.constant 0 : i32
      %dma_wait3A_251 = arith.constant 0 : i32
      %dma_wait3A_252 = tpu.memref_slice %arg4[%dma_wait3A_250, %dma_wait3A_251] : memref<1000000x64xf32, #tpu.memory_space<hbm>> -> memref<1000000x64xf32, #tpu.memory_space<hbm>>
      tpu.wait_indirect_dma semaphore(%arg9 : memref<!tpu.dma_semaphore, #tpu.memory_space<semaphore_mem>>) src(%dma_wait3A_252 : memref<1000000x64xf32, #tpu.memory_space<hbm>>) dst(%dma_wait3A_247 : memref<40x64xf32, #tpu.memory_space<vmem>>)
      %dma_wait3A_253 = arith.constant 0 : i32
      %dma_wait3A_254 = arith.constant 160 : i32
      %dma_wait3A_255 = arith.constant 0 : i32
      %dma_wait3A_256 = tpu.memref_slice %arg7[%dma_wait3A_253, %dma_wait3A_254, %dma_wait3A_255] : memref<4x200x64xf32, #tpu.memory_space<vmem>> -> memref<1x40x64xf32, #tpu.memory_space<vmem>>
      %dma_wait3A_257 = tpu.memref_squeeze %dma_wait3A_256 : memref<1x40x64xf32, #tpu.memory_space<vmem>> -> memref<40x64xf32, #tpu.memory_space<vmem>>
      %dma_wait3A_258 = arith.constant 160 : i32
      %dma_wait3A_259 = tpu.memref_slice %arg6[%dma_wait3A_258] : memref<800xi32, #tpu.memory_space<vmem>> -> memref<40xi32, #tpu.memory_space<vmem>>
      %dma_wait3A_260 = arith.constant 0 : i32
      %dma_wait3A_261 = arith.constant 0 : i32
      %dma_wait3A_262 = tpu.memref_slice %arg4[%dma_wait3A_260, %dma_wait3A_261] : memref<1000000x64xf32, #tpu.memory_space<hbm>> -> memref<1000000x64xf32, #tpu.memory_space<hbm>>
      tpu.wait_indirect_dma semaphore(%arg9 : memref<!tpu.dma_semaphore, #tpu.memory_space<semaphore_mem>>) src(%dma_wait3A_262 : memref<1000000x64xf32, #tpu.memory_space<hbm>>) dst(%dma_wait3A_257 : memref<40x64xf32, #tpu.memory_space<vmem>>)
      %dma_wait3A_263 = arith.constant 1 : i32
      %dma_wait3A_264 = arith.constant 0 : i32
      %dma_wait3A_265 = arith.constant 0 : i32
      %dma_wait3A_266 = tpu.memref_slice %arg7[%dma_wait3A_263, %dma_wait3A_264, %dma_wait3A_265] : memref<4x200x64xf32, #tpu.memory_space<vmem>> -> memref<1x40x64xf32, #tpu.memory_space<vmem>>
      %dma_wait3A_267 = tpu.memref_squeeze %dma_wait3A_266 : memref<1x40x64xf32, #tpu.memory_space<vmem>> -> memref<40x64xf32, #tpu.memory_space<vmem>>
      %dma_wait3A_268 = arith.constant 200 : i32
      %dma_wait3A_269 = tpu.memref_slice %arg6[%dma_wait3A_268] : memref<800xi32, #tpu.memory_space<vmem>> -> memref<40xi32, #tpu.memory_space<vmem>>
      %dma_wait3A_270 = arith.constant 0 : i32
      %dma_wait3A_271 = arith.constant 0 : i32
      %dma_wait3A_272 = tpu.memref_slice %arg4[%dma_wait3A_270, %dma_wait3A_271] : memref<1000000x64xf32, #tpu.memory_space<hbm>> -> memref<1000000x64xf32, #tpu.memory_space<hbm>>
      tpu.wait_indirect_dma semaphore(%arg9 : memref<!tpu.dma_semaphore, #tpu.memory_space<semaphore_mem>>) src(%dma_wait3A_272 : memref<1000000x64xf32, #tpu.memory_space<hbm>>) dst(%dma_wait3A_267 : memref<40x64xf32, #tpu.memory_space<vmem>>)
      %dma_wait3A_273 = arith.constant 1 : i32
      %dma_wait3A_274 = arith.constant 40 : i32
      %dma_wait3A_275 = arith.constant 0 : i32
      %dma_wait3A_276 = tpu.memref_slice %arg7[%dma_wait3A_273, %dma_wait3A_274, %dma_wait3A_275] : memref<4x200x64xf32, #tpu.memory_space<vmem>> -> memref<1x40x64xf32, #tpu.memory_space<vmem>>
      %dma_wait3A_277 = tpu.memref_squeeze %dma_wait3A_276 : memref<1x40x64xf32, #tpu.memory_space<vmem>> -> memref<40x64xf32, #tpu.memory_space<vmem>>
      %dma_wait3A_278 = arith.constant 240 : i32
      %dma_wait3A_279 = tpu.memref_slice %arg6[%dma_wait3A_278] : memref<800xi32, #tpu.memory_space<vmem>> -> memref<40xi32, #tpu.memory_space<vmem>>
      %dma_wait3A_280 = arith.constant 0 : i32
      %dma_wait3A_281 = arith.constant 0 : i32
      %dma_wait3A_282 = tpu.memref_slice %arg4[%dma_wait3A_280, %dma_wait3A_281] : memref<1000000x64xf32, #tpu.memory_space<hbm>> -> memref<1000000x64xf32, #tpu.memory_space<hbm>>
      tpu.wait_indirect_dma semaphore(%arg9 : memref<!tpu.dma_semaphore, #tpu.memory_space<semaphore_mem>>) src(%dma_wait3A_282 : memref<1000000x64xf32, #tpu.memory_space<hbm>>) dst(%dma_wait3A_277 : memref<40x64xf32, #tpu.memory_space<vmem>>)
      %dma_wait3A_283 = arith.constant 1 : i32
      %dma_wait3A_284 = arith.constant 80 : i32
      %dma_wait3A_285 = arith.constant 0 : i32
      %dma_wait3A_286 = tpu.memref_slice %arg7[%dma_wait3A_283, %dma_wait3A_284, %dma_wait3A_285] : memref<4x200x64xf32, #tpu.memory_space<vmem>> -> memref<1x40x64xf32, #tpu.memory_space<vmem>>
      %dma_wait3A_287 = tpu.memref_squeeze %dma_wait3A_286 : memref<1x40x64xf32, #tpu.memory_space<vmem>> -> memref<40x64xf32, #tpu.memory_space<vmem>>
      %dma_wait3A_288 = arith.constant 280 : i32
      %dma_wait3A_289 = tpu.memref_slice %arg6[%dma_wait3A_288] : memref<800xi32, #tpu.memory_space<vmem>> -> memref<40xi32, #tpu.memory_space<vmem>>
      %dma_wait3A_290 = arith.constant 0 : i32
      %dma_wait3A_291 = arith.constant 0 : i32
      %dma_wait3A_292 = tpu.memref_slice %arg4[%dma_wait3A_290, %dma_wait3A_291] : memref<1000000x64xf32, #tpu.memory_space<hbm>> -> memref<1000000x64xf32, #tpu.memory_space<hbm>>
      tpu.wait_indirect_dma semaphore(%arg9 : memref<!tpu.dma_semaphore, #tpu.memory_space<semaphore_mem>>) src(%dma_wait3A_292 : memref<1000000x64xf32, #tpu.memory_space<hbm>>) dst(%dma_wait3A_287 : memref<40x64xf32, #tpu.memory_space<vmem>>)
      %dma_wait3A_293 = arith.constant 1 : i32
      %dma_wait3A_294 = arith.constant 120 : i32
      %dma_wait3A_295 = arith.constant 0 : i32
      %dma_wait3A_296 = tpu.memref_slice %arg7[%dma_wait3A_293, %dma_wait3A_294, %dma_wait3A_295] : memref<4x200x64xf32, #tpu.memory_space<vmem>> -> memref<1x40x64xf32, #tpu.memory_space<vmem>>
      %dma_wait3A_297 = tpu.memref_squeeze %dma_wait3A_296 : memref<1x40x64xf32, #tpu.memory_space<vmem>> -> memref<40x64xf32, #tpu.memory_space<vmem>>
      %dma_wait3A_298 = arith.constant 320 : i32
      %dma_wait3A_299 = tpu.memref_slice %arg6[%dma_wait3A_298] : memref<800xi32, #tpu.memory_space<vmem>> -> memref<40xi32, #tpu.memory_space<vmem>>
      %dma_wait3A_300 = arith.constant 0 : i32
      %dma_wait3A_301 = arith.constant 0 : i32
      %dma_wait3A_302 = tpu.memref_slice %arg4[%dma_wait3A_300, %dma_wait3A_301] : memref<1000000x64xf32, #tpu.memory_space<hbm>> -> memref<1000000x64xf32, #tpu.memory_space<hbm>>
      tpu.wait_indirect_dma semaphore(%arg9 : memref<!tpu.dma_semaphore, #tpu.memory_space<semaphore_mem>>) src(%dma_wait3A_302 : memref<1000000x64xf32, #tpu.memory_space<hbm>>) dst(%dma_wait3A_297 : memref<40x64xf32, #tpu.memory_space<vmem>>)
      %dma_wait3A_303 = arith.constant 1 : i32
      %dma_wait3A_304 = arith.constant 160 : i32
      %dma_wait3A_305 = arith.constant 0 : i32
      %dma_wait3A_306 = tpu.memref_slice %arg7[%dma_wait3A_303, %dma_wait3A_304, %dma_wait3A_305] : memref<4x200x64xf32, #tpu.memory_space<vmem>> -> memref<1x40x64xf32, #tpu.memory_space<vmem>>
      %dma_wait3A_307 = tpu.memref_squeeze %dma_wait3A_306 : memref<1x40x64xf32, #tpu.memory_space<vmem>> -> memref<40x64xf32, #tpu.memory_space<vmem>>
      %dma_wait3A_308 = arith.constant 360 : i32
      %dma_wait3A_309 = tpu.memref_slice %arg6[%dma_wait3A_308] : memref<800xi32, #tpu.memory_space<vmem>> -> memref<40xi32, #tpu.memory_space<vmem>>
      %dma_wait3A_310 = arith.constant 0 : i32
      %dma_wait3A_311 = arith.constant 0 : i32
      %dma_wait3A_312 = tpu.memref_slice %arg4[%dma_wait3A_310, %dma_wait3A_311] : memref<1000000x64xf32, #tpu.memory_space<hbm>> -> memref<1000000x64xf32, #tpu.memory_space<hbm>>
      tpu.wait_indirect_dma semaphore(%arg9 : memref<!tpu.dma_semaphore, #tpu.memory_space<semaphore_mem>>) src(%dma_wait3A_312 : memref<1000000x64xf32, #tpu.memory_space<hbm>>) dst(%dma_wait3A_307 : memref<40x64xf32, #tpu.memory_space<vmem>>)
      %dma_wait3A_313 = arith.constant 2 : i32
      %dma_wait3A_314 = arith.constant 0 : i32
      %dma_wait3A_315 = arith.constant 0 : i32
      %dma_wait3A_316 = tpu.memref_slice %arg7[%dma_wait3A_313, %dma_wait3A_314, %dma_wait3A_315] : memref<4x200x64xf32, #tpu.memory_space<vmem>> -> memref<1x40x64xf32, #tpu.memory_space<vmem>>
      %dma_wait3A_317 = tpu.memref_squeeze %dma_wait3A_316 : memref<1x40x64xf32, #tpu.memory_space<vmem>> -> memref<40x64xf32, #tpu.memory_space<vmem>>
      %dma_wait3A_318 = arith.constant 400 : i32
      %dma_wait3A_319 = tpu.memref_slice %arg6[%dma_wait3A_318] : memref<800xi32, #tpu.memory_space<vmem>> -> memref<40xi32, #tpu.memory_space<vmem>>
      %dma_wait3A_320 = arith.constant 0 : i32
      %dma_wait3A_321 = arith.constant 0 : i32
      %dma_wait3A_322 = tpu.memref_slice %arg4[%dma_wait3A_320, %dma_wait3A_321] : memref<1000000x64xf32, #tpu.memory_space<hbm>> -> memref<1000000x64xf32, #tpu.memory_space<hbm>>
      tpu.wait_indirect_dma semaphore(%arg9 : memref<!tpu.dma_semaphore, #tpu.memory_space<semaphore_mem>>) src(%dma_wait3A_322 : memref<1000000x64xf32, #tpu.memory_space<hbm>>) dst(%dma_wait3A_317 : memref<40x64xf32, #tpu.memory_space<vmem>>)
      %dma_wait3A_323 = arith.constant 2 : i32
      %dma_wait3A_324 = arith.constant 40 : i32
      %dma_wait3A_325 = arith.constant 0 : i32
      %dma_wait3A_326 = tpu.memref_slice %arg7[%dma_wait3A_323, %dma_wait3A_324, %dma_wait3A_325] : memref<4x200x64xf32, #tpu.memory_space<vmem>> -> memref<1x40x64xf32, #tpu.memory_space<vmem>>
      %dma_wait3A_327 = tpu.memref_squeeze %dma_wait3A_326 : memref<1x40x64xf32, #tpu.memory_space<vmem>> -> memref<40x64xf32, #tpu.memory_space<vmem>>
      %dma_wait3A_328 = arith.constant 440 : i32
      %dma_wait3A_329 = tpu.memref_slice %arg6[%dma_wait3A_328] : memref<800xi32, #tpu.memory_space<vmem>> -> memref<40xi32, #tpu.memory_space<vmem>>
      %dma_wait3A_330 = arith.constant 0 : i32
      %dma_wait3A_331 = arith.constant 0 : i32
      %dma_wait3A_332 = tpu.memref_slice %arg4[%dma_wait3A_330, %dma_wait3A_331] : memref<1000000x64xf32, #tpu.memory_space<hbm>> -> memref<1000000x64xf32, #tpu.memory_space<hbm>>
      tpu.wait_indirect_dma semaphore(%arg9 : memref<!tpu.dma_semaphore, #tpu.memory_space<semaphore_mem>>) src(%dma_wait3A_332 : memref<1000000x64xf32, #tpu.memory_space<hbm>>) dst(%dma_wait3A_327 : memref<40x64xf32, #tpu.memory_space<vmem>>)
      %dma_wait3A_333 = arith.constant 2 : i32
      %dma_wait3A_334 = arith.constant 80 : i32
      %dma_wait3A_335 = arith.constant 0 : i32
      %dma_wait3A_336 = tpu.memref_slice %arg7[%dma_wait3A_333, %dma_wait3A_334, %dma_wait3A_335] : memref<4x200x64xf32, #tpu.memory_space<vmem>> -> memref<1x40x64xf32, #tpu.memory_space<vmem>>
      %dma_wait3A_337 = tpu.memref_squeeze %dma_wait3A_336 : memref<1x40x64xf32, #tpu.memory_space<vmem>> -> memref<40x64xf32, #tpu.memory_space<vmem>>
      %dma_wait3A_338 = arith.constant 480 : i32
      %dma_wait3A_339 = tpu.memref_slice %arg6[%dma_wait3A_338] : memref<800xi32, #tpu.memory_space<vmem>> -> memref<40xi32, #tpu.memory_space<vmem>>
      %dma_wait3A_340 = arith.constant 0 : i32
      %dma_wait3A_341 = arith.constant 0 : i32
      %dma_wait3A_342 = tpu.memref_slice %arg4[%dma_wait3A_340, %dma_wait3A_341] : memref<1000000x64xf32, #tpu.memory_space<hbm>> -> memref<1000000x64xf32, #tpu.memory_space<hbm>>
      tpu.wait_indirect_dma semaphore(%arg9 : memref<!tpu.dma_semaphore, #tpu.memory_space<semaphore_mem>>) src(%dma_wait3A_342 : memref<1000000x64xf32, #tpu.memory_space<hbm>>) dst(%dma_wait3A_337 : memref<40x64xf32, #tpu.memory_space<vmem>>)
      %dma_wait3A_343 = arith.constant 2 : i32
      %dma_wait3A_344 = arith.constant 120 : i32
      %dma_wait3A_345 = arith.constant 0 : i32
      %dma_wait3A_346 = tpu.memref_slice %arg7[%dma_wait3A_343, %dma_wait3A_344, %dma_wait3A_345] : memref<4x200x64xf32, #tpu.memory_space<vmem>> -> memref<1x40x64xf32, #tpu.memory_space<vmem>>
      %dma_wait3A_347 = tpu.memref_squeeze %dma_wait3A_346 : memref<1x40x64xf32, #tpu.memory_space<vmem>> -> memref<40x64xf32, #tpu.memory_space<vmem>>
      %dma_wait3A_348 = arith.constant 520 : i32
      %dma_wait3A_349 = tpu.memref_slice %arg6[%dma_wait3A_348] : memref<800xi32, #tpu.memory_space<vmem>> -> memref<40xi32, #tpu.memory_space<vmem>>
      %dma_wait3A_350 = arith.constant 0 : i32
      %dma_wait3A_351 = arith.constant 0 : i32
      %dma_wait3A_352 = tpu.memref_slice %arg4[%dma_wait3A_350, %dma_wait3A_351] : memref<1000000x64xf32, #tpu.memory_space<hbm>> -> memref<1000000x64xf32, #tpu.memory_space<hbm>>
      tpu.wait_indirect_dma semaphore(%arg9 : memref<!tpu.dma_semaphore, #tpu.memory_space<semaphore_mem>>) src(%dma_wait3A_352 : memref<1000000x64xf32, #tpu.memory_space<hbm>>) dst(%dma_wait3A_347 : memref<40x64xf32, #tpu.memory_space<vmem>>)
      %dma_wait3A_353 = arith.constant 2 : i32
      %dma_wait3A_354 = arith.constant 160 : i32
      %dma_wait3A_355 = arith.constant 0 : i32
      %dma_wait3A_356 = tpu.memref_slice %arg7[%dma_wait3A_353, %dma_wait3A_354, %dma_wait3A_355] : memref<4x200x64xf32, #tpu.memory_space<vmem>> -> memref<1x40x64xf32, #tpu.memory_space<vmem>>
      %dma_wait3A_357 = tpu.memref_squeeze %dma_wait3A_356 : memref<1x40x64xf32, #tpu.memory_space<vmem>> -> memref<40x64xf32, #tpu.memory_space<vmem>>
      %dma_wait3A_358 = arith.constant 560 : i32
      %dma_wait3A_359 = tpu.memref_slice %arg6[%dma_wait3A_358] : memref<800xi32, #tpu.memory_space<vmem>> -> memref<40xi32, #tpu.memory_space<vmem>>
      %dma_wait3A_360 = arith.constant 0 : i32
      %dma_wait3A_361 = arith.constant 0 : i32
      %dma_wait3A_362 = tpu.memref_slice %arg4[%dma_wait3A_360, %dma_wait3A_361] : memref<1000000x64xf32, #tpu.memory_space<hbm>> -> memref<1000000x64xf32, #tpu.memory_space<hbm>>
      tpu.wait_indirect_dma semaphore(%arg9 : memref<!tpu.dma_semaphore, #tpu.memory_space<semaphore_mem>>) src(%dma_wait3A_362 : memref<1000000x64xf32, #tpu.memory_space<hbm>>) dst(%dma_wait3A_357 : memref<40x64xf32, #tpu.memory_space<vmem>>)
      %dma_wait3A_363 = arith.constant 3 : i32
      %dma_wait3A_364 = arith.constant 0 : i32
      %dma_wait3A_365 = arith.constant 0 : i32
      %dma_wait3A_366 = tpu.memref_slice %arg7[%dma_wait3A_363, %dma_wait3A_364, %dma_wait3A_365] : memref<4x200x64xf32, #tpu.memory_space<vmem>> -> memref<1x40x64xf32, #tpu.memory_space<vmem>>
      %dma_wait3A_367 = tpu.memref_squeeze %dma_wait3A_366 : memref<1x40x64xf32, #tpu.memory_space<vmem>> -> memref<40x64xf32, #tpu.memory_space<vmem>>
      %dma_wait3A_368 = arith.constant 600 : i32
      %dma_wait3A_369 = tpu.memref_slice %arg6[%dma_wait3A_368] : memref<800xi32, #tpu.memory_space<vmem>> -> memref<40xi32, #tpu.memory_space<vmem>>
      %dma_wait3A_370 = arith.constant 0 : i32
      %dma_wait3A_371 = arith.constant 0 : i32
      %dma_wait3A_372 = tpu.memref_slice %arg4[%dma_wait3A_370, %dma_wait3A_371] : memref<1000000x64xf32, #tpu.memory_space<hbm>> -> memref<1000000x64xf32, #tpu.memory_space<hbm>>
      tpu.wait_indirect_dma semaphore(%arg9 : memref<!tpu.dma_semaphore, #tpu.memory_space<semaphore_mem>>) src(%dma_wait3A_372 : memref<1000000x64xf32, #tpu.memory_space<hbm>>) dst(%dma_wait3A_367 : memref<40x64xf32, #tpu.memory_space<vmem>>)
      %dma_wait3A_373 = arith.constant 3 : i32
      %dma_wait3A_374 = arith.constant 40 : i32
      %dma_wait3A_375 = arith.constant 0 : i32
      %dma_wait3A_376 = tpu.memref_slice %arg7[%dma_wait3A_373, %dma_wait3A_374, %dma_wait3A_375] : memref<4x200x64xf32, #tpu.memory_space<vmem>> -> memref<1x40x64xf32, #tpu.memory_space<vmem>>
      %dma_wait3A_377 = tpu.memref_squeeze %dma_wait3A_376 : memref<1x40x64xf32, #tpu.memory_space<vmem>> -> memref<40x64xf32, #tpu.memory_space<vmem>>
      %dma_wait3A_378 = arith.constant 640 : i32
      %dma_wait3A_379 = tpu.memref_slice %arg6[%dma_wait3A_378] : memref<800xi32, #tpu.memory_space<vmem>> -> memref<40xi32, #tpu.memory_space<vmem>>
      %dma_wait3A_380 = arith.constant 0 : i32
      %dma_wait3A_381 = arith.constant 0 : i32
      %dma_wait3A_382 = tpu.memref_slice %arg4[%dma_wait3A_380, %dma_wait3A_381] : memref<1000000x64xf32, #tpu.memory_space<hbm>> -> memref<1000000x64xf32, #tpu.memory_space<hbm>>
      tpu.wait_indirect_dma semaphore(%arg9 : memref<!tpu.dma_semaphore, #tpu.memory_space<semaphore_mem>>) src(%dma_wait3A_382 : memref<1000000x64xf32, #tpu.memory_space<hbm>>) dst(%dma_wait3A_377 : memref<40x64xf32, #tpu.memory_space<vmem>>)
      %dma_wait3A_383 = arith.constant 3 : i32
      %dma_wait3A_384 = arith.constant 80 : i32
      %dma_wait3A_385 = arith.constant 0 : i32
      %dma_wait3A_386 = tpu.memref_slice %arg7[%dma_wait3A_383, %dma_wait3A_384, %dma_wait3A_385] : memref<4x200x64xf32, #tpu.memory_space<vmem>> -> memref<1x40x64xf32, #tpu.memory_space<vmem>>
      %dma_wait3A_387 = tpu.memref_squeeze %dma_wait3A_386 : memref<1x40x64xf32, #tpu.memory_space<vmem>> -> memref<40x64xf32, #tpu.memory_space<vmem>>
      %dma_wait3A_388 = arith.constant 680 : i32
      %dma_wait3A_389 = tpu.memref_slice %arg6[%dma_wait3A_388] : memref<800xi32, #tpu.memory_space<vmem>> -> memref<40xi32, #tpu.memory_space<vmem>>
      %dma_wait3A_390 = arith.constant 0 : i32
      %dma_wait3A_391 = arith.constant 0 : i32
      %dma_wait3A_392 = tpu.memref_slice %arg4[%dma_wait3A_390, %dma_wait3A_391] : memref<1000000x64xf32, #tpu.memory_space<hbm>> -> memref<1000000x64xf32, #tpu.memory_space<hbm>>
      tpu.wait_indirect_dma semaphore(%arg9 : memref<!tpu.dma_semaphore, #tpu.memory_space<semaphore_mem>>) src(%dma_wait3A_392 : memref<1000000x64xf32, #tpu.memory_space<hbm>>) dst(%dma_wait3A_387 : memref<40x64xf32, #tpu.memory_space<vmem>>)
      %dma_wait3A_393 = arith.constant 3 : i32
      %dma_wait3A_394 = arith.constant 120 : i32
      %dma_wait3A_395 = arith.constant 0 : i32
      %dma_wait3A_396 = tpu.memref_slice %arg7[%dma_wait3A_393, %dma_wait3A_394, %dma_wait3A_395] : memref<4x200x64xf32, #tpu.memory_space<vmem>> -> memref<1x40x64xf32, #tpu.memory_space<vmem>>
      %dma_wait3A_397 = tpu.memref_squeeze %dma_wait3A_396 : memref<1x40x64xf32, #tpu.memory_space<vmem>> -> memref<40x64xf32, #tpu.memory_space<vmem>>
      %dma_wait3A_398 = arith.constant 720 : i32
      %dma_wait3A_399 = tpu.memref_slice %arg6[%dma_wait3A_398] : memref<800xi32, #tpu.memory_space<vmem>> -> memref<40xi32, #tpu.memory_space<vmem>>
      %dma_wait3A_400 = arith.constant 0 : i32
      %dma_wait3A_401 = arith.constant 0 : i32
      %dma_wait3A_402 = tpu.memref_slice %arg4[%dma_wait3A_400, %dma_wait3A_401] : memref<1000000x64xf32, #tpu.memory_space<hbm>> -> memref<1000000x64xf32, #tpu.memory_space<hbm>>
      tpu.wait_indirect_dma semaphore(%arg9 : memref<!tpu.dma_semaphore, #tpu.memory_space<semaphore_mem>>) src(%dma_wait3A_402 : memref<1000000x64xf32, #tpu.memory_space<hbm>>) dst(%dma_wait3A_397 : memref<40x64xf32, #tpu.memory_space<vmem>>)
      %dma_wait3A_403 = arith.constant 3 : i32
      %dma_wait3A_404 = arith.constant 160 : i32
      %dma_wait3A_405 = arith.constant 0 : i32
      %dma_wait3A_406 = tpu.memref_slice %arg7[%dma_wait3A_403, %dma_wait3A_404, %dma_wait3A_405] : memref<4x200x64xf32, #tpu.memory_space<vmem>> -> memref<1x40x64xf32, #tpu.memory_space<vmem>>
      %dma_wait3A_407 = tpu.memref_squeeze %dma_wait3A_406 : memref<1x40x64xf32, #tpu.memory_space<vmem>> -> memref<40x64xf32, #tpu.memory_space<vmem>>
      %dma_wait3A_408 = arith.constant 760 : i32
      %dma_wait3A_409 = tpu.memref_slice %arg6[%dma_wait3A_408] : memref<800xi32, #tpu.memory_space<vmem>> -> memref<40xi32, #tpu.memory_space<vmem>>
      %dma_wait3A_410 = arith.constant 0 : i32
      %dma_wait3A_411 = arith.constant 0 : i32
      %dma_wait3A_412 = tpu.memref_slice %arg4[%dma_wait3A_410, %dma_wait3A_411] : memref<1000000x64xf32, #tpu.memory_space<hbm>> -> memref<1000000x64xf32, #tpu.memory_space<hbm>>
      tpu.wait_indirect_dma semaphore(%arg9 : memref<!tpu.dma_semaphore, #tpu.memory_space<semaphore_mem>>) src(%dma_wait3A_412 : memref<1000000x64xf32, #tpu.memory_space<hbm>>) dst(%dma_wait3A_407 : memref<40x64xf32, #tpu.memory_space<vmem>>)
      %scan3A_413 = arith.constant 0 : i32
      %scan3A_414 = arith.constant 4 : i32
      %scan3A_415 = arith.addi %scan3A_413, %scan3A_414 : i32
      %scan3A_416 = arith.constant 1 : i32
      scf.for %scan3A_434 = %scan3A_413 to %scan3A_415 step %scan3A_416  : i32 {
        %mul3A_435 = arith.constant 1 : i32
        %mul3A_436 = arith.muli %scan3A_434, %mul3A_435 : i32
        %add3A_437 = arith.constant 0 : i32
        %add3A_438 = arith.addi %add3A_437, %mul3A_436 : i32
        %scan3A_439 = arith.constant 0 : i32
        %scan3A_440 = arith.constant 200 : i32
        %scan3A_441 = arith.addi %scan3A_439, %scan3A_440 : i32
        %scan3A_442 = arith.constant 1 : i32
        scf.for %scan3A_444 = %scan3A_439 to %scan3A_441 step %scan3A_442  : i32 {
          %mul3A_445 = arith.constant 1 : i32
          %mul3A_446 = arith.muli %scan3A_444, %mul3A_445 : i32
          %add3A_447 = arith.constant 0 : i32
          %add3A_448 = arith.addi %add3A_447, %mul3A_446 : i32
          %get3A = arith.index_cast %add3A_438 : i32 to index
          %get3A_449 = arith.index_cast %add3A_448 : i32 to index
          %get3A_450 = arith.constant 0 : index
          %get3A_451 = tpu.vector_load %arg7[%get3A, %get3A_449, %get3A_450] {strides = array<i32>} : memref<4x200x64xf32, #tpu.memory_space<vmem>>, vector<1x1x16xf32>,
          %get3A_452 = vector.shape_cast %get3A_451 : vector<1x1x16xf32> to vector<16xf32>
          %get3A_453 = arith.index_cast %add3A_448 : i32 to index
          %get3A_454 = arith.constant 0 : index
          %get3A_455 = tpu.vector_load %arg8[%get3A_453, %get3A_454] {strides = array<i32>} : memref<200x64xf32, #tpu.memory_space<vmem>>, vector<1x16xf32>,
          %get3A_456 = vector.shape_cast %get3A_455 : vector<1x16xf32> to vector<16xf32>
          %add3A_457 = arith.addf %get3A_452, %get3A_456 : vector<16xf32>
          %swap3A = arith.index_cast %add3A_438 : i32 to index
          %swap3A_458 = arith.index_cast %add3A_448 : i32 to index
          %swap3A_459 = arith.constant 0 : index
          %swap3A_460 = tpu.vector_load %arg7[%swap3A, %swap3A_458, %swap3A_459] {strides = array<i32>} : memref<4x200x64xf32, #tpu.memory_space<vmem>>, vector<1x1x16xf32>,
          %swap3A_461 = vector.shape_cast %swap3A_460 : vector<1x1x16xf32> to vector<16xf32>
          %swap3A_462 = vector.shape_cast %add3A_457 : vector<16xf32> to vector<1x1x16xf32>
          tpu.vector_store %arg7[%swap3A, %swap3A_458, %swap3A_459], %swap3A_462 {strides = array<i32>} : memref<4x200x64xf32, #tpu.memory_space<vmem>>, vector<1x1x16xf32>,
          %get3A_463 = arith.index_cast %add3A_438 : i32 to index
          %get3A_464 = arith.index_cast %add3A_448 : i32 to index
          %get3A_465 = arith.constant 16 : index
          %get3A_466 = tpu.vector_load %arg7[%get3A_463, %get3A_464, %get3A_465] {strides = array<i32>} : memref<4x200x64xf32, #tpu.memory_space<vmem>>, vector<1x1x16xf32>,
          %get3A_467 = vector.shape_cast %get3A_466 : vector<1x1x16xf32> to vector<16xf32>
          %get3A_468 = arith.index_cast %add3A_448 : i32 to index
          %get3A_469 = arith.constant 16 : index
          %get3A_470 = tpu.vector_load %arg8[%get3A_468, %get3A_469] {strides = array<i32>} : memref<200x64xf32, #tpu.memory_space<vmem>>, vector<1x16xf32>,
          %get3A_471 = vector.shape_cast %get3A_470 : vector<1x16xf32> to vector<16xf32>
          %add3A_472 = arith.addf %get3A_467, %get3A_471 : vector<16xf32>
          %swap3A_473 = arith.index_cast %add3A_438 : i32 to index
          %swap3A_474 = arith.index_cast %add3A_448 : i32 to index
          %swap3A_475 = arith.constant 16 : index
          %swap3A_476 = tpu.vector_load %arg7[%swap3A_473, %swap3A_474, %swap3A_475] {strides = array<i32>} : memref<4x200x64xf32, #tpu.memory_space<vmem>>, vector<1x1x16xf32>,
          %swap3A_477 = vector.shape_cast %swap3A_476 : vector<1x1x16xf32> to vector<16xf32>
          %swap3A_478 = vector.shape_cast %add3A_472 : vector<16xf32> to vector<1x1x16xf32>
          tpu.vector_store %arg7[%swap3A_473, %swap3A_474, %swap3A_475], %swap3A_478 {strides = array<i32>} : memref<4x200x64xf32, #tpu.memory_space<vmem>>, vector<1x1x16xf32>,
          %get3A_479 = arith.index_cast %add3A_438 : i32 to index
          %get3A_480 = arith.index_cast %add3A_448 : i32 to index
          %get3A_481 = arith.constant 32 : index
          %get3A_482 = tpu.vector_load %arg7[%get3A_479, %get3A_480, %get3A_481] {strides = array<i32>} : memref<4x200x64xf32, #tpu.memory_space<vmem>>, vector<1x1x16xf32>,
          %get3A_483 = vector.shape_cast %get3A_482 : vector<1x1x16xf32> to vector<16xf32>
          %get3A_484 = arith.index_cast %add3A_448 : i32 to index
          %get3A_485 = arith.constant 32 : index
          %get3A_486 = tpu.vector_load %arg8[%get3A_484, %get3A_485] {strides = array<i32>} : memref<200x64xf32, #tpu.memory_space<vmem>>, vector<1x16xf32>,
          %get3A_487 = vector.shape_cast %get3A_486 : vector<1x16xf32> to vector<16xf32>
          %add3A_488 = arith.addf %get3A_483, %get3A_487 : vector<16xf32>
          %swap3A_489 = arith.index_cast %add3A_438 : i32 to index
          %swap3A_490 = arith.index_cast %add3A_448 : i32 to index
          %swap3A_491 = arith.constant 32 : index
          %swap3A_492 = tpu.vector_load %arg7[%swap3A_489, %swap3A_490, %swap3A_491] {strides = array<i32>} : memref<4x200x64xf32, #tpu.memory_space<vmem>>, vector<1x1x16xf32>,
          %swap3A_493 = vector.shape_cast %swap3A_492 : vector<1x1x16xf32> to vector<16xf32>
          %swap3A_494 = vector.shape_cast %add3A_488 : vector<16xf32> to vector<1x1x16xf32>
          tpu.vector_store %arg7[%swap3A_489, %swap3A_490, %swap3A_491], %swap3A_494 {strides = array<i32>} : memref<4x200x64xf32, #tpu.memory_space<vmem>>, vector<1x1x16xf32>,
          %get3A_495 = arith.index_cast %add3A_438 : i32 to index
          %get3A_496 = arith.index_cast %add3A_448 : i32 to index
          %get3A_497 = arith.constant 48 : index
          %get3A_498 = tpu.vector_load %arg7[%get3A_495, %get3A_496, %get3A_497] {strides = array<i32>} : memref<4x200x64xf32, #tpu.memory_space<vmem>>, vector<1x1x16xf32>,
          %get3A_499 = vector.shape_cast %get3A_498 : vector<1x1x16xf32> to vector<16xf32>
          %get3A_500 = arith.index_cast %add3A_448 : i32 to index
          %get3A_501 = arith.constant 48 : index
          %get3A_502 = tpu.vector_load %arg8[%get3A_500, %get3A_501] {strides = array<i32>} : memref<200x64xf32, #tpu.memory_space<vmem>>, vector<1x16xf32>,
          %get3A_503 = vector.shape_cast %get3A_502 : vector<1x16xf32> to vector<16xf32>
          %add3A_504 = arith.addf %get3A_499, %get3A_503 : vector<16xf32>
          %swap3A_505 = arith.index_cast %add3A_438 : i32 to index
          %swap3A_506 = arith.index_cast %add3A_448 : i32 to index
          %swap3A_507 = arith.constant 48 : index
          %swap3A_508 = tpu.vector_load %arg7[%swap3A_505, %swap3A_506, %swap3A_507] {strides = array<i32>} : memref<4x200x64xf32, #tpu.memory_space<vmem>>, vector<1x1x16xf32>,
          %swap3A_509 = vector.shape_cast %swap3A_508 : vector<1x1x16xf32> to vector<16xf32>
          %swap3A_510 = vector.shape_cast %add3A_504 : vector<16xf32> to vector<1x1x16xf32>
          tpu.vector_store %arg7[%swap3A_505, %swap3A_506, %swap3A_507], %swap3A_510 {strides = array<i32>} : memref<4x200x64xf32, #tpu.memory_space<vmem>>, vector<1x1x16xf32>,
        }
        %scan3A_443 = arith.constant 200 : i32
      }
      %scan3A_417 = arith.constant 4 : i32
      %jit3A = arith.constant 200 : i32
      %div3A = arith.divsi %add3A_14, %jit3A : i32
      %sign3A = arith.constant 0 : i32
      %sign3A_418 = arith.cmpi sgt, %add3A_14, %sign3A : i32
      %sign3A_419 = arith.extui %sign3A_418 : i1 to i32
      %sign3A_420 = arith.constant 0 : i32
      %sign3A_421 = arith.cmpi slt, %add3A_14, %sign3A_420 : i32
      %sign3A_422 = arith.extui %sign3A_421 : i1 to i32
      %sign3A_423 = arith.subi %sign3A_419, %sign3A_422 : i32
      %sign3A_424 = arith.constant 0 : i32
      %sign3A_425 = arith.cmpi sgt, %jit3A, %sign3A_424 : i32
      %sign3A_426 = arith.extui %sign3A_425 : i1 to i32
      %sign3A_427 = arith.constant 0 : i32
      %sign3A_428 = arith.cmpi slt, %jit3A, %sign3A_427 : i32
      %sign3A_429 = arith.extui %sign3A_428 : i1 to i32
      %sign3A_430 = arith.subi %sign3A_426, %sign3A_429 : i32
      %ne3A = arith.cmpi ne, %sign3A_423, %sign3A_430 : i32
      %rem3A = arith.remsi %add3A_14, %jit3A : i32
      %ne3A_431 = arith.constant 0 : i32
      %ne3A_432 = arith.cmpi ne, %rem3A, %ne3A_431 : i32
      %and3A = arith.andi %ne3A, %ne3A_432 : i1
      %sub3A = arith.constant 1 : i32
      %sub3A_433 = arith.subi %div3A, %sub3A : i32
      %select_n3A = arith.select %and3A, %sub3A_433, %div3A : i32
      "tpu.region"() ({
        %run_scoped3A = tpu.sem_alloc : memref<!tpu.dma_semaphore, #tpu.memory_space<semaphore_mem>>
        %dma_start3A_434 = arith.constant 0 : i32
        %dma_start3A_435 = arith.constant 0 : i32
        %dma_start3A_436 = tpu.memref_slice %arg5[%select_n3A, %dma_start3A_434, %dma_start3A_435] : memref<4096x200x64xf32, #tpu.memory_space<hbm>> -> memref<4x200x64xf32, #tpu.memory_space<hbm>>
        %dma_start3A_437 = arith.constant 0 : i32
        %dma_start3A_438 = arith.constant 0 : i32
        %dma_start3A_439 = tpu.memref_slice %arg5[%select_n3A, %dma_start3A_437, %dma_start3A_438] : memref<4096x200x64xf32, #tpu.memory_space<hbm>> -> memref<4x200x64xf32, #tpu.memory_space<hbm>>
        tpu.enqueue_dma source(%arg7 : memref<4x200x64xf32, #tpu.memory_space<vmem>>) target(%dma_start3A_439 : memref<4x200x64xf32, #tpu.memory_space<hbm>>) target_semaphore(%run_scoped3A : memref<!tpu.dma_semaphore, #tpu.memory_space<semaphore_mem>>)
        %dma_wait3A_440 = arith.constant 0 : i32
        %dma_wait3A_441 = arith.constant 0 : i32
        %dma_wait3A_442 = tpu.memref_slice %arg5[%select_n3A, %dma_wait3A_440, %dma_wait3A_441] : memref<4096x200x64xf32, #tpu.memory_space<hbm>> -> memref<4x200x64xf32, #tpu.memory_space<hbm>>
        %dma_wait3A_443 = arith.constant 0 : i32
        %dma_wait3A_444 = arith.constant 0 : i32
        %dma_wait3A_445 = tpu.memref_slice %arg5[%select_n3A, %dma_wait3A_443, %dma_wait3A_444] : memref<4096x200x64xf32, #tpu.memory_space<hbm>> -> memref<4x200x64xf32, #tpu.memory_space<hbm>>
        tpu.wait_dma2 semaphore(%run_scoped3A : memref<!tpu.dma_semaphore, #tpu.memory_space<semaphore_mem>>) src(%arg7 : memref<4x200x64xf32, #tpu.memory_space<vmem>>) dst(%dma_wait3A_445 : memref<4x200x64xf32, #tpu.memory_space<hbm>>)
        tpu.yield
      }) : () -> ()
    }
    %scan3A_6 = arith.constant 32 : i32
    return
  }
}

</mosaic_0001>

<sc_bundles>
// kernel: _encode.3.cloned.1.call-start
scs
__scs_entry_jumppad:
0x0: {  	(pc) =	sbr.rel $0x88, $3  }
0x1: {  	(tag) =	ssettag $0x0;
	lr =	simm.s32 $0x1  }
0x2: {  	[smem:$0x3F9E] =	sst lr;
	_ =	strace $0xD0000000  }
0x3: {  	_ = 	snop  }
0x4: {  	_ = 	snop  }
0x5: {  	_ = 	snop  }
0x6: {  	_ = 	snop  }
0x7: {  	_ = 	snop  }
__scs_overlays_trampoline_lowered:
0x8: {  	[smem:$0x3FAD] =	sst s0  }
0x9: {  	[smem:$0x3FAE] =	sst s1  }
0xa: {  	[smem:$0x3FAF] =	sst s2  }
0xb: {  	[smem:$0x3FB0] =	sst s3  }
0xc: {  	[smem:$0x3FB1] =	sst s4  }
0xd: {  	[smem:$0x3FB2] =	sst s5  }
0xe: {  	[smem:$0x3FB3] =	sst s6  }
0xf: {  	[smem:$0x3FB4] =	sst s7  }
0x10: {  	[smem:$0x3FB5] =	sst s8  }
0x11: {  	[smem:$0x3FB6] =	sst s9;
	s0 =	simm.s32 @!p0 $0x0  }
0x12: {  	s1 =	sld [smem:$0x3F9C];
	s0 =	simm.s32 @p0 $0x1  }
0x13: {  	[smem:$0x3FB7] =	sst s0;
	s0 =	simm.s32 @!p1 $0x0  }
0x14: {  	s2 =	sld [smem:$0x3F9B];
	s0 =	simm.s32 @p1 $0x1  }
0x15: {  	[smem:$0x3FB8] =	sst s0;
	s0 =	simm.s32 @!p2 $0x0  }
0x16: {  	s3 =	sld [smem:$0x3FDB];
	s0 =	simm.s32 @p2 $0x1  }
0x17: {  	s4 =	simm.s32 $0x1BF5;
	[smem:$0x3FBA] =	sst s0  }
0x18: {  	s0 =	sld [smem:$0x3F9D];
	_ =	swait.ge [sflag:s4], $0x0  }
0x19: {  	s7 =	sld [smem:$0x3F9E]  }
0x1a: {  	s8 =	sadd.s32 $0xFFFFE003, lr  }
0x1b: {  	s9 =	sadd.s32 $0xFFFFFEF7, lr;
	s5 =	simm.s32 $0xFFFFFFFF;
	p2 =	slt.u32 s8, $0xFFFFF086  }
0x1c: {  	p1 =	slt.u32 s9, $0xF7A;
	s5 =	simm.s32 @!p2 $0x0  }
0x1d: {  	s5 =	simm.s32 @p1 $0x1;
	p0 =	seq.s32 s7, s2  }
0x1e: {  	s7 =	smul.u32 @!p0 $0xF7A, s2;
	p2 =	seq.s32 @!p0 s5, $0x0  }
0x1f: {  	s9 =	smul.u32 $0xF7A, s1;
	s8 =	simm.s32 @!p0 $0x1BF5;
	p2 =	por !p2, p0  }
0x20: {  	[sflag:s8] =	ssyncset.s32 @!p0 $0xFFFFF086;
	s6 =	sadd.s32 @!p0 s3, s7;
	s7 =	simm.s32 @!p0 $0x108  }
0x21: {  	s3 =	sadd.s32 s3, s9;
	s6 =	sadd.s32 @!p0 $0x88, s6;
	s7 =	simm.s32 @p2 $0x1082  }
0x22: {  	[simem:s7], [sflag:s8] =	dma.local @!p0 [hbm:s6], $0xF7A  }
0x23: {  	s9 =	sor.u32 $0xD0000000, s2;
	s6 =	simm.s32 $0x108;
	_ =	swait.ge @!p0 [sflag:s8], $0x0  }
0x24: {  	s3 =	sadd.s32 $0x88, s3;
	s6 =	simm.s32 @!p1 $0x1082;
	[sflag:s4] =	ssyncset.s32 $0xFFFFF086  }
0x25: {  	[simem:s6], [sflag:s4] =	dma.local [hbm:s3], $0xF7A  }
0x26: {  	[smem:$0x3F9E] =	sst s1;
	(tag) =	ssettag s2;
	_ =	strace s9  }
0x27: {  	s1 =	sld [smem:$0x3FAE]  }
0x28: {  	s2 =	sld [smem:$0x3FAF]  }
0x29: {  	s4 =	sld [smem:$0x3FB1]  }
0x2a: {  	p0 =	seq.s32 s5, $0x0;
	s5 =	sld [smem:$0x3FB2]  }
0x2b: {  	s6 =	sld [smem:$0x3FB3]  }
0x2c: {  	s7 =	sld [smem:$0x3FB4]  }
0x2d: {  	s3 =	simm.s32 $0x108;
	s8 =	sld [smem:$0x3FB5]  }
0x2e: {  	s3 =	simm.s32 @!p0 $0x1082;
	s9 =	sld [smem:$0x3FB6]  }
0x2f: {  	lr =	sadd.s32 s0, s3;
	s0 =	sld [smem:$0x3FAD]  }
0x30: {  	s3 =	sld [smem:$0x3FB0]  }
0x31: {  	[smem:$0x3FB9] =	sst s10  }
0x32: {  	s10 =	sld [smem:$0x3FB7];
	_ =	sdelay $0x3  }
0x33: {  	p0 =	seq.s32 s10, $0x1;
	s10 =	sld [smem:$0x3FB9];
	_ =	sdelay $0x3  }
0x34: {  	[smem:$0x3FB9] =	sst s10  }
0x35: {  	s10 =	sld [smem:$0x3FB8];
	_ =	sdelay $0x3  }
0x36: {  	p1 =	seq.s32 s10, $0x1;
	s10 =	sld [smem:$0x3FB9];
	_ =	sdelay $0x3  }
0x37: {  	[smem:$0x3FB9] =	sst s10  }
0x38: {  	s10 =	sld [smem:$0x3FBA]  }
0x39: {  	_ = 	snop;
	(pc) =	sbr.ind lr, $3  }
0x3a: {  	_ = 	snop  }
0x3b: {  	_ = 	snop  }
0x3c: {  	p2 =	seq.s32 s10, $0x1;
	s10 =	sld [smem:$0x3FB9]  }
0x3d: {  	_ =	shalt  }
0x3e: {  	_ =	shalt  }
0x3f: {  	_ =	shalt  }
0x40: {  	_ =	shalt  }
0x41: {  	_ =	shalt  }
0x42: {  	_ =	shalt  }
0x43: {  	_ =	shalt  }
0x44: {  	_ =	shalt  }
0x45: {  	_ =	shalt  }
0x46: {  	_ =	shalt  }
0x47: {  	_ =	shalt  }
0x48: {  	_ =	shalt  }
0x49: {  	_ =	shalt  }
0x4a: {  	_ =	shalt  }
0x4b: {  	_ =	shalt  }
0x4c: {  	_ =	shalt  }
0x4d: {  	_ =	shalt  }
0x4e: {  	_ =	shalt  }
0x4f: {  	_ =	shalt  }
0x50: {  	_ =	shalt  }
0x51: {  	_ =	shalt  }
0x52: {  	_ =	shalt  }
0x53: {  	_ =	shalt  }
0x54: {  	_ =	shalt  }
0x55: {  	_ =	shalt  }
0x56: {  	_ =	shalt  }
0x57: {  	_ =	shalt  }
0x58: {  	_ =	shalt  }
0x59: {  	_ =	shalt  }
0x5a: {  	_ =	shalt  }
0x5b: {  	_ =	shalt  }
0x5c: {  	_ =	shalt  }
0x5d: {  	_ =	shalt  }
0x5e: {  	_ =	shalt  }
0x5f: {  	_ =	shalt  }
0x60: {  	_ =	shalt  }
0x61: {  	_ =	shalt  }
0x62: {  	_ =	shalt  }
0x63: {  	_ =	shalt  }
0x64: {  	_ =	shalt  }
0x65: {  	_ =	shalt  }
0x66: {  	_ =	shalt  }
0x67: {  	_ =	shalt  }
0x68: {  	_ =	shalt  }
0x69: {  	_ =	shalt  }
0x6a: {  	_ =	shalt  }
0x6b: {  	_ =	shalt  }
0x6c: {  	_ =	shalt  }
0x6d: {  	_ =	shalt  }
0x6e: {  	_ =	shalt  }
0x6f: {  	_ =	shalt  }
0x70: {  	_ =	shalt  }
0x71: {  	_ =	shalt  }
0x72: {  	_ =	shalt  }
0x73: {  	_ =	shalt  }
0x74: {  	_ =	shalt  }
0x75: {  	_ =	shalt  }
0x76: {  	_ =	shalt  }
0x77: {  	_ =	shalt  }
0x78: {  	_ =	shalt  }
0x79: {  	_ =	shalt  }
0x7a: {  	_ =	shalt  }
0x7b: {  	_ =	shalt  }
0x7c: {  	_ =	shalt  }
0x7d: {  	_ =	shalt  }
0x7e: {  	_ =	shalt  }
0x7f: {  	_ =	shalt  }
0x80: {  	_ =	shalt  }
0x81: {  	_ =	shalt  }
0x82: {  	_ =	shalt  }
0x83: {  	_ =	shalt  }
0x84: {  	_ =	shalt  }
0x85: {  	_ =	shalt  }
0x86: {  	_ =	shalt  }
0x87: {  	_ =	shalt  }
.Lfunc_end0:
.L_simem_size_0:
called_computation.1_lowered:
.L_overlay_start_0:
0x88: {  	s2 =	sld [smem:$0x3FD9]  }
0x89: {  	s3 =	sld [smem:$0x3FFE];
	_ =	sdelay $0x1  }
0x8a: {  	s1 =	srdreg.scid  }
0x8b: {  	s0 =	sand.u32 $0x1, s1  }
0x8c: {  	s17 =	sshll.u32 s0, $0xA;
	s2 =	sadd.s32 s3, s2  }
0x8d: {  	s2 =	sadd.s32 s2, s17  }
0x8e: {  	[smem:$0x3FC5] =	sst s2  }
0x8f: {  	_ = 	snop  }
0x90: {  	s2 =	sld [smem:$0x3FC9]  }
0x91: {  	s18 =	sld [smem:$0x3FD0];
	(tm) =	ssettm $0x1  }
0x92: {  	s4 =	sld [smem:$0x3FFB];
	_ =	sdelay $0x3  }
0x93: {  	_ =	strace s4  }
0x94: {  	s4 =	sld [smem:$0x3FFC];
	_ =	sdelay $0x3  }
0x95: {  	_ =	strace s4  }
0x96: {  	s4 =	sld [smem:$0x3FFD];
	_ =	sdelay $0x3  }
0x97: {  	_ =	strace s4  }
0x98: {  	_ =	strace $0x8FFFFFFF  }
0x99: {  	s19 =	sld [smem:$0x3FDB];
	_ =	sdelay $0x1  }
0x9a: {  	s5 =	simm.s32 $_scs_section_size  }
0x9b: {  	s6 =	simm.s32 $_size__tile_overlayer_lowered;
	s7 =	simm.s32 $_tile_overlayer_lowered  }
0x9c: {  	s22 =	simm.s32 $0x1BFF;
	s21 =	sshll.u32 s7, $0x1;
	s4 =	sadd.s32 s5, s19  }
0x9d: {  	s8 =	simm.s32 $0x0;
	s20 =	sshll.u32 s6, $0x1;
	s6 =	sadd.s32 s21, s4  }
0x9e: {  	[timem:s8], [sflag:s22] =	dma.local [hbm:s6], s20  }
0x9f: {  	_ =	swait.ge [sflag:s22], s20  }
0xa0: {  	s5 =	ssub.s32 $0x0, s20;
	[sflag:s22] =	ssyncset.done $0x0  }
0xa1: {  	[sflag:s22] =	ssyncadd.s32 s5;
	_ =	sdelay $0x1  }
0xa2: {  	s23 =	simm.s32 $0x1B8B  }
0xa3: {  	_ =	swait.ge [sflag:s23], $0x1  }
0xa4: {  	[sflag:s23] =	ssyncset.done $0x0  }
0xa5: {  	s25 =	simm.s32 $0x1B8E;
	s24 =	sld [smem:$0x3FFE];
	[sflag:s23] =	ssyncadd.s32 $0xFFFFFFFF  }
0xa6: {  	s26 =	simm.s32 $execute0_lowered;
	[smem:$0x3FD2] =	sst s25  }
0xa7: {  	s6 =	sshll.u32 s26, $0x1;
	_ =	strace $0x80000046;
	[dreg:$0x1] =	wrdreg $0xFFFFFFFF  }
0xa8: {  	s28 =	simm.s32 $_size_execute0_lowered;
	s4 =	sadd.s32 s4, s6;
	[dreg:$0x0] =	wrdreg $0x0  }
0xa9: {  	s6 =	sshll.u32 s28, $0x1;
	[dreg:$0x2] =	wrdreg s4  }
0xaa: {  	[dreg:$0x3] =	wrdreg s6  }
0xab: {  	[dreg:$0x4] =	wrdreg $0xC0  }
0xac: {  	_ =	task [dreg:s8], $0x5FFFF  }
0xad: {  	[dreg:$0x1] =	wrdreg $0xFFFFFFFF  }
0xae: {  	[dreg:$0x0] =	wrdreg $0x60  }
0xaf: {  	[dreg:$0x2] =	wrdreg s2  }
0xb0: {  	[dreg:$0x3] =	wrdreg s24  }
0xb1: {  	[dreg:$0x4] =	wrdreg s18  }
0xb2: {  	[dreg:$0x5] =	wrdreg $0x9  }
0xb3: {  	_ =	task.clear_ibuf [dreg:s8], $0x6FFFF;
	_ =	strace $0x90000046  }
0xb4: {  	s29 =	simm.s32 $0x9;
	_ =	strace $0x80000048  }
0xb5: {  	_ =	swait.ge [sflag:s29], $0x1  }
0xb6: {  	[sflag:s29] =	ssyncadd.s32 $0xFFFFFFFF  }
0xb7: {  	_ =	strace $0x90000048  }
0xb8: {  	_ =	sfence  }
0xb9: {  	s30 =	sld [smem:$0x0];
	_ =	sdelay $0x2  }
0xba: {  	s31 =	sshll.u32 s1, $0xD;
	s1 =	sshrl.u32 s1, $0x2  }
0xbb: {  	s3 =	sand.u32 $0x4000, s31;
	s1 =	sadd.s32 s1, s30  }
0xbc: {  	s0 =	sor.u32 s3, s0;
	s1 =	sshll.u32 s1, $0x11  }
0xbd: {  	s0 =	sor.u32 s1, s0  }
0xbe: {  	s0 =	sadd.s32 $0x8F2B, s0  }
0xbf: {  	[sflag:s0] =	ssyncadd.remote.s32 $0x1  }
0xc0: {  	_ =	sfence.sel $0xFFFF  }
0xc1: {  	[dreg:$0x0] =	wrdreg $0xFFFFFFFF;
	(pc) =	sbr.abs _section_cstart, $3  }
0xc2: {  	[dreg:$0x1] =	wrdreg $0xFFFFFFFF  }
0xc3: {  	_ =	task.clear_ibuf [dreg:s8], $0x2FFFF;
	_ =	strace $0x9FFFFFFF  }
0xc4: {  	(tm) =	ssettm $0x7FFFFFFF  }
0xc5: {  	_ =	shalt  }
tec
execute0_lowered:
.L_overlay_start_1:
0x0: {  	(tag) =	ssettag $0x1  }
0x1: {  	s0 =	rddreg [dreg:$0x1];
	s2 =	simm.s32 $0x0;
	s1 =	srdreg.scid  }
0x2: {  	s4 =	stileid.u32;
	s10 =	simm.s32 $0x2;
	s11 =	simm.s32 $0x28  }
0x3: {  	s12 =	simm.s32 $0x320;
	s9 =	simm.s32 $0x7120;
	s5 =	simm.s32 $0x1E0  }
0x4: {  	s8 =	simm.s32 $0x7B20;
	s13 =	simm.s32 $0x8F20;
	s14 =	simm.s32 $0x258  }
0x5: {  	s15 =	simm.s32 $0x9920;
	s16 =	simm.s32 $0x280;
	s17 =	simm.s32 $0xA320  }
0x6: {  	s18 =	simm.s32 $0x2A8;
	s19 =	simm.s32 $0xAD20;
	s20 =	simm.s32 $0x2D0  }
0x7: {  	s21 =	simm.s32 $0xB720;
	s22 =	simm.s32 $0x2F8;
	s23 =	simm.s32 $0xC120  }
0x8: {  	s24 =	simm.s32 $0x1;
	s26 =	simm.s32 $0x0;
	[smem:$0x7FF] =	sst s2  }
0x9: {  	s1 =	sand.u32 $0x1, s1;
	s29 =	sadd.s32 $0xA00, s0;
	s6 =	sadd.s32 $0xF42E00, s0  }
0xa: {  	s2 =	simm.s32 $0x8520;
	_ =	strace $0x80000047;
	s30 =	ssub.s32 $0x2, s1  }
0xb: {  	[dreg:$0x4] =	wrdreg s29;
	s1 =	sshll.u32 s1, $0x4;
	s3 =	sshrl.u32 s30, $0x1  }
0xc: {  	s1 =	sor.u32 s4, s1;
	s4 =	simm.s32 $0x1B8;
	s31 =	ssub.s32 s30, s3  }
0xd: {  	s7 =	smul.u32 $0x6400, s1;
	s1 =	simm.s32 $0x208;
	s0 =	smax.u32 s31, $0x1  }
0xe: {  	s3 =	simm.s32 $0x230;
	[dreg:$0x5] =	wrdreg s0;
	s0 =	simm.s32 $0x6720  }
.LBB2_1:
0xf: {  	[dreg:$0x6] =	wrdreg s26  }
0x10: {  	s25 =	simm.s32 $0x0;
	s31 =	rddreg [dreg:$0x4];
	s28 =	simm.s32 $0xCB20  }
0x11: {  	[tilespmem:s28], [sflag:$0x2] =	stream.linear.gather [hbm4b:s31+s25], $0x3200, $0x38;
	[tilespmem:$0xFD20] =	vst v63  }
0x12: {  	_ =	swait.ge [sflag:s10], $0x3200  }
0x13: {  	[sflag:s10] =	ssyncset.done $0x0  }
0x14: {  	s25 =	simm.s32 $0x0;
	[sflag:s10] =	ssyncadd.s32 $0xFFFFCE00  }
.LBB2_2:
0x15: {  	s26 =	smul.u32 $0x320, s25;
	_ =	sdelay $0x1  }
0x16: {  	s26 =	sadd.s32 s7, s26  }
0x17: {  	s29 =	rddreg [dreg:$0x0];
	s28 =	sshrl.u32 s26, $0x3  }
0x18: {  	s28 =	sadd.s32 s29, s28;
	s29 =	simm.s32 $0x0  }
0x19: {  	[tilespmem:s29], [sflag:$0x2] =	stream.linear.gather [hbm4b:s28+s29], $0x320, $0x38;
	[tilespmem:$0xFD20] =	vst v63  }
0x1a: {  	_ =	swait.ge [sflag:s10], $0x320  }
0x1b: {  	[sflag:s10] =	ssyncset.done $0x0  }
0x1c: {  	[sflag:s10] =	ssyncadd.s32 $0xFFFFFCE0  }
0x1d: {  	[tilespmem:s12], [sflag:$0x1] =	stream.indirect.gather [hbm4b:s6+s11], $0x40, s29, s11, $0xb8;
	[tilespmem:$0xFD20] =	vst v63  }
0x1e: {  	s28 =	simm.s32 $0xD20  }
0x1f: {  	[tilespmem:s28], [sflag:$0x1] =	stream.indirect.gather [hbm4b:s6+s11], $0x40, s11, s11, $0xb8;
	[tilespmem:$0xFD20] =	vst v63  }
0x20: {  	s29 =	simm.s32 $0x1720;
	s28 =	simm.s32 $0x50  }
0x21: {  	[tilespmem:s29], [sflag:$0x1] =	stream.indirect.gather [hbm4b:s6+s11], $0x40, s28, s11, $0xb8;
	[tilespmem:$0xFD20] =	vst v63  }
0x22: {  	s28 =	simm.s32 $0x78;
	s29 =	simm.s32 $0x2120  }
0x23: {  	[tilespmem:s29], [sflag:$0x1] =	stream.indirect.gather [hbm4b:s6+s11], $0x40, s28, s11, $0xb8;
	[tilespmem:$0xFD20] =	vst v63  }
0x24: {  	s28 =	simm.s32 $0xA0;
	s29 =	simm.s32 $0x2B20  }
0x25: {  	[tilespmem:s29], [sflag:$0x1] =	stream.indirect.gather [hbm4b:s6+s11], $0x40, s28, s11, $0xb8;
	[tilespmem:$0xFD20] =	vst v63  }
0x26: {  	s28 =	simm.s32 $0xC8;
	s29 =	simm.s32 $0x3520  }
0x27: {  	[tilespmem:s29], [sflag:$0x1] =	stream.indirect.gather [hbm4b:s6+s11], $0x40, s28, s11, $0xb8;
	[tilespmem:$0xFD20] =	vst v63  }
0x28: {  	s28 =	simm.s32 $0xF0;
	s29 =	simm.s32 $0x3F20  }
0x29: {  	[tilespmem:s29], [sflag:$0x1] =	stream.indirect.gather [hbm4b:s6+s11], $0x40, s28, s11, $0xb8;
	[tilespmem:$0xFD20] =	vst v63  }
0x2a: {  	s28 =	simm.s32 $0x118;
	s29 =	simm.s32 $0x4920  }
0x2b: {  	[tilespmem:s29], [sflag:$0x1] =	stream.indirect.gather [hbm4b:s6+s11], $0x40, s28, s11, $0xb8;
	[tilespmem:$0xFD20] =	vst v63  }
0x2c: {  	s28 =	simm.s32 $0x140;
	s29 =	simm.s32 $0x5320  }
0x2d: {  	[tilespmem:s29], [sflag:$0x1] =	stream.indirect.gather [hbm4b:s6+s11], $0x40, s28, s11, $0xb8;
	[tilespmem:$0xFD20] =	vst v63  }
0x2e: {  	s28 =	simm.s32 $0x168;
	s29 =	simm.s32 $0x5D20  }
0x2f: {  	[tilespmem:s29], [sflag:$0x1] =	stream.indirect.gather [hbm4b:s6+s11], $0x40, s28, s11, $0xb8;
	[tilespmem:$0xFD20] =	vst v63  }
0x30: {  	s28 =	simm.s32 $0x190  }
0x31: {  	[tilespmem:s0], [sflag:$0x1] =	stream.indirect.gather [hbm4b:s6+s11], $0x40, s28, s11, $0xb8;
	[tilespmem:$0xFD20] =	vst v63  }
0x32: {  	_ = 	snop  }
0x33: {  	[tilespmem:s9], [sflag:$0x1] =	stream.indirect.gather [hbm4b:s6+s11], $0x40, s4, s11, $0xb8;
	[tilespmem:$0xFD20] =	vst v63  }
0x34: {  	_ = 	snop  }
0x35: {  	[tilespmem:s8], [sflag:$0x1] =	stream.indirect.gather [hbm4b:s6+s11], $0x40, s5, s11, $0xb8;
	[tilespmem:$0xFD20] =	vst v63  }
0x36: {  	_ = 	snop  }
0x37: {  	[tilespmem:s2], [sflag:$0x1] =	stream.indirect.gather [hbm4b:s6+s11], $0x40, s1, s11, $0xb8;
	[tilespmem:$0xFD20] =	vst v63  }
0x38: {  	_ = 	snop  }
0x39: {  	[tilespmem:s13], [sflag:$0x1] =	stream.indirect.gather [hbm4b:s6+s11], $0x40, s3, s11, $0xb8;
	[tilespmem:$0xFD20] =	vst v63  }
0x3a: {  	_ = 	snop  }
0x3b: {  	[tilespmem:s15], [sflag:$0x1] =	stream.indirect.gather [hbm4b:s6+s11], $0x40, s14, s11, $0xb8;
	[tilespmem:$0xFD20] =	vst v63  }
0x3c: {  	_ = 	snop  }
0x3d: {  	[tilespmem:s17], [sflag:$0x1] =	stream.indirect.gather [hbm4b:s6+s11], $0x40, s16, s11, $0xb8;
	[tilespmem:$0xFD20] =	vst v63  }
0x3e: {  	_ = 	snop  }
0x3f: {  	[tilespmem:s19], [sflag:$0x1] =	stream.indirect.gather [hbm4b:s6+s11], $0x40, s18, s11, $0xb8;
	[tilespmem:$0xFD20] =	vst v63  }
0x40: {  	_ = 	snop  }
0x41: {  	[tilespmem:s21], [sflag:$0x1] =	stream.indirect.gather [hbm4b:s6+s11], $0x40, s20, s11, $0xb8;
	[tilespmem:$0xFD20] =	vst v63  }
0x42: {  	_ = 	snop  }
0x43: {  	[tilespmem:s23], [sflag:$0x1] =	stream.indirect.gather [hbm4b:s6+s11], $0x40, s22, s11, $0xb8;
	[tilespmem:$0xFD20] =	vst v63  }
0x44: {  	_ =	swait.ge [sflag:s24], $0xA00  }
0x45: {  	[sflag:s24] =	ssyncset.done $0x0  }
0x46: {  	[sflag:s24] =	ssyncadd.s32 $0xFFFFF600  }
0x47: {  	_ =	swait.ge [sflag:s24], $0xA00  }
0x48: {  	[sflag:s24] =	ssyncset.done $0x0  }
0x49: {  	[sflag:s24] =	ssyncadd.s32 $0xFFFFF600  }
0x4a: {  	_ =	swait.ge [sflag:s24], $0xA00  }
0x4b: {  	[sflag:s24] =	ssyncset.done $0x0  }
0x4c: {  	[sflag:s24] =	ssyncadd.s32 $0xFFFFF600  }
0x4d: {  	_ =	swait.ge [sflag:s24], $0xA00  }
0x4e: {  	[sflag:s24] =	ssyncset.done $0x0  }
0x4f: {  	[sflag:s24] =	ssyncadd.s32 $0xFFFFF600  }
0x50: {  	_ =	swait.ge [sflag:s24], $0xA00  }
0x51: {  	[sflag:s24] =	ssyncset.done $0x0  }
0x52: {  	[sflag:s24] =	ssyncadd.s32 $0xFFFFF600  }
0x53: {  	_ =	swait.ge [sflag:s24], $0xA00  }
0x54: {  	[sflag:s24] =	ssyncset.done $0x0  }
0x55: {  	[sflag:s24] =	ssyncadd.s32 $0xFFFFF600  }
0x56: {  	_ =	swait.ge [sflag:s24], $0xA00  }
0x57: {  	[sflag:s24] =	ssyncset.done $0x0  }
0x58: {  	[sflag:s24] =	ssyncadd.s32 $0xFFFFF600  }
0x59: {  	_ =	swait.ge [sflag:s24], $0xA00  }
0x5a: {  	[sflag:s24] =	ssyncset.done $0x0  }
0x5b: {  	[sflag:s24] =	ssyncadd.s32 $0xFFFFF600  }
0x5c: {  	_ =	swait.ge [sflag:s24], $0xA00  }
0x5d: {  	[sflag:s24] =	ssyncset.done $0x0  }
0x5e: {  	[sflag:s24] =	ssyncadd.s32 $0xFFFFF600  }
0x5f: {  	_ =	swait.ge [sflag:s24], $0xA00  }
0x60: {  	[sflag:s24] =	ssyncset.done $0x0  }
0x61: {  	[sflag:s24] =	ssyncadd.s32 $0xFFFFF600  }
0x62: {  	_ =	swait.ge [sflag:s24], $0xA00  }
0x63: {  	[sflag:s24] =	ssyncset.done $0x0  }
0x64: {  	[sflag:s24] =	ssyncadd.s32 $0xFFFFF600  }
0x65: {  	_ =	swait.ge [sflag:s24], $0xA00  }
0x66: {  	[sflag:s24] =	ssyncset.done $0x0  }
0x67: {  	[sflag:s24] =	ssyncadd.s32 $0xFFFFF600  }
0x68: {  	_ =	swait.ge [sflag:s24], $0xA00  }
0x69: {  	[sflag:s24] =	ssyncset.done $0x0  }
0x6a: {  	[sflag:s24] =	ssyncadd.s32 $0xFFFFF600  }
0x6b: {  	_ =	swait.ge [sflag:s24], $0xA00  }
0x6c: {  	[sflag:s24] =	ssyncset.done $0x0  }
0x6d: {  	[sflag:s24] =	ssyncadd.s32 $0xFFFFF600  }
0x6e: {  	_ =	swait.ge [sflag:s24], $0xA00  }
0x6f: {  	[sflag:s24] =	ssyncset.done $0x0  }
0x70: {  	[sflag:s24] =	ssyncadd.s32 $0xFFFFF600  }
0x71: {  	_ =	swait.ge [sflag:s24], $0xA00  }
0x72: {  	[sflag:s24] =	ssyncset.done $0x0  }
0x73: {  	[sflag:s24] =	ssyncadd.s32 $0xFFFFF600  }
0x74: {  	_ =	swait.ge [sflag:s24], $0xA00  }
0x75: {  	[sflag:s24] =	ssyncset.done $0x0  }
0x76: {  	[sflag:s24] =	ssyncadd.s32 $0xFFFFF600  }
0x77: {  	_ =	swait.ge [sflag:s24], $0xA00  }
0x78: {  	[sflag:s24] =	ssyncset.done $0x0  }
0x79: {  	[sflag:s24] =	ssyncadd.s32 $0xFFFFF600  }
0x7a: {  	_ =	swait.ge [sflag:s24], $0xA00  }
0x7b: {  	[sflag:s24] =	ssyncset.done $0x0  }
0x7c: {  	[sflag:s24] =	ssyncadd.s32 $0xFFFFF600  }
0x7d: {  	_ =	swait.ge [sflag:s24], $0xA00  }
0x7e: {  	[sflag:s24] =	ssyncset.done $0x0  }
0x7f: {  	s28 =	simm.s32 $0x0;
	[sflag:s24] =	ssyncadd.s32 $0xFFFFF600  }
0x80: {  	v5 =	vld [tilespmem:s28+$0xCB20]  }
0x81: {  	v6 =	vld [tilespmem:s28+$0xCB30]  }
0x82: {  	v1 =	vld [tilespmem:s28+$0xCB40]  }
0x83: {  	v0 =	vld [tilespmem:s28+$0xCB50]  }
0x84: {  	v2 =	vld [tilespmem:s28+$0x320]  }
0x85: {  	v4 =	vld [tilespmem:s28+$0x330]  }
0x86: {  	s30 =	simm.s32 $0x100;
	s29 =	simm.s32 $0x0;
	v3 =	vld [tilespmem:s28+$0x340]  }
.LBB2_3:
0x87: {  	s31 =	sshra.s32 s30, $0x2;
	p0 =	sne.s32 s30, $0xC700;
	v7 =	vld [tilespmem:s29+$0x350];
	v8 =	vmov v1  }
0x88: {  	v9 =	vld [tilespmem:s31+$0xCB20];
	v10 =	vmov v0  }
0x89: {  	v11 =	vld [tilespmem:s31+$0xCB30];
	v2 =	vadd.f32 v5, v2  }
.Ltmp0:
0x8a: {  	v1 =	vld [tilespmem:s31+$0xCB40];
	v4 =	vadd.f32 v6, v4;
	(pc) =	sbr.rel @p0 .LBB2_3-.Ltmp0, $4  }
0x8b: {  	v0 =	vld [tilespmem:s31+$0xCB50];
	[tilespmem:s29+$0x320] =	vst v2;
	v3 =	vadd.f32 v8, v3  }
0x8c: {  	v2 =	vld [tilespmem:s31+$0x320];
	[tilespmem:s29+$0x330] =	vst v4;
	v7 =	vadd.f32 v10, v7  }
0x8d: {  	v4 =	vld [tilespmem:s31+$0x330];
	[tilespmem:s29+$0x340] =	vst v3;
	v5 =	vmov v9  }
0x8e: {  	s30 =	sadd.s32 $0x100, s30;
	v3 =	vld [tilespmem:s31+$0x340];
	[tilespmem:s29+$0x350] =	vst v7;
	v6 =	vmov v11;
	s29 =	smov.u32 s31  }
0x8f: {  	v7 =	vld [tilespmem:s29+$0x350];
	_ =	sdelay $0x1  }
0x90: {  	v2 =	vadd.f32 v5, v2  }
0x91: {  	v4 =	vadd.f32 v6, v4  }
0x92: {  	[tilespmem:s29+$0x320] =	vst v2;
	v1 =	vadd.f32 v1, v3  }
0x93: {  	[tilespmem:s29+$0x330] =	vst v4;
	v0 =	vadd.f32 v0, v7  }
0x94: {  	[tilespmem:s29+$0x340] =	vst v1  }
0x95: {  	[tilespmem:s29+$0x350] =	vst v0  }
0x96: {  	v5 =	vld [tilespmem:s28+$0xCB20]  }
0x97: {  	v6 =	vld [tilespmem:s28+$0xCB30]  }
0x98: {  	v1 =	vld [tilespmem:s28+$0xCB40]  }
0x99: {  	v0 =	vld [tilespmem:s28+$0xCB50]  }
0x9a: {  	v2 =	vld [tilespmem:s28+$0x3520]  }
0x9b: {  	v4 =	vld [tilespmem:s28+$0x3530]  }
0x9c: {  	s29 =	simm.s32 $0x100;
	v3 =	vld [tilespmem:s28+$0x3540]  }
.LBB2_5:
0x9d: {  	s30 =	sshra.s32 s29, $0x2;
	p0 =	sne.s32 s29, $0xC700;
	v7 =	vld [tilespmem:s28+$0x3550];
	v8 =	vmov v1  }
0x9e: {  	v9 =	vld [tilespmem:s30+$0xCB20];
	v10 =	vmov v0  }
0x9f: {  	v11 =	vld [tilespmem:s30+$0xCB30];
	v2 =	vadd.f32 v5, v2  }
.Ltmp1:
0xa0: {  	v1 =	vld [tilespmem:s30+$0xCB40];
	v4 =	vadd.f32 v6, v4;
	(pc) =	sbr.rel @p0 .LBB2_5-.Ltmp1, $4  }
0xa1: {  	v0 =	vld [tilespmem:s30+$0xCB50];
	[tilespmem:s28+$0x3520] =	vst v2;
	v3 =	vadd.f32 v8, v3  }
0xa2: {  	v2 =	vld [tilespmem:s30+$0x3520];
	[tilespmem:s28+$0x3530] =	vst v4;
	v7 =	vadd.f32 v10, v7  }
0xa3: {  	v4 =	vld [tilespmem:s30+$0x3530];
	[tilespmem:s28+$0x3540] =	vst v3;
	v5 =	vmov v9  }
0xa4: {  	s29 =	sadd.s32 $0x100, s29;
	v3 =	vld [tilespmem:s30+$0x3540];
	[tilespmem:s28+$0x3550] =	vst v7;
	v6 =	vmov v11;
	s28 =	smov.u32 s30  }
0xa5: {  	v7 =	vld [tilespmem:s28+$0x3550];
	_ =	sdelay $0x1  }
0xa6: {  	v2 =	vadd.f32 v5, v2  }
0xa7: {  	v4 =	vadd.f32 v6, v4  }
0xa8: {  	[tilespmem:s28+$0x3520] =	vst v2;
	v1 =	vadd.f32 v1, v3  }
0xa9: {  	[tilespmem:s28+$0x3530] =	vst v4;
	v0 =	vadd.f32 v0, v7  }
0xaa: {  	[tilespmem:s28+$0x3540] =	vst v1  }
0xab: {  	[tilespmem:s28+$0x3550] =	vst v0;
	s28 =	simm.s32 $0x0  }
0xac: {  	v5 =	vld [tilespmem:s28+$0xCB20]  }
0xad: {  	v6 =	vld [tilespmem:s28+$0xCB30]  }
0xae: {  	v1 =	vld [tilespmem:s28+$0xCB40]  }
0xaf: {  	v0 =	vld [tilespmem:s28+$0xCB50]  }
0xb0: {  	v2 =	vld [tilespmem:s28+$0x6720]  }
0xb1: {  	v4 =	vld [tilespmem:s28+$0x6730]  }
0xb2: {  	s30 =	simm.s32 $0x100;
	s29 =	simm.s32 $0x0;
	v3 =	vld [tilespmem:s28+$0x6740]  }
.LBB2_7:
0xb3: {  	s31 =	sshra.s32 s30, $0x2;
	p0 =	sne.s32 s30, $0xC700;
	v7 =	vld [tilespmem:s29+$0x6750];
	v8 =	vmov v1  }
0xb4: {  	v9 =	vld [tilespmem:s31+$0xCB20];
	v10 =	vmov v0  }
0xb5: {  	v11 =	vld [tilespmem:s31+$0xCB30];
	v2 =	vadd.f32 v5, v2  }
.Ltmp2:
0xb6: {  	v1 =	vld [tilespmem:s31+$0xCB40];
	v4 =	vadd.f32 v6, v4;
	(pc) =	sbr.rel @p0 .LBB2_7-.Ltmp2, $4  }
0xb7: {  	v0 =	vld [tilespmem:s31+$0xCB50];
	[tilespmem:s29+$0x6720] =	vst v2;
	v3 =	vadd.f32 v8, v3  }
0xb8: {  	v2 =	vld [tilespmem:s31+$0x6720];
	[tilespmem:s29+$0x6730] =	vst v4;
	v7 =	vadd.f32 v10, v7  }
0xb9: {  	v4 =	vld [tilespmem:s31+$0x6730];
	[tilespmem:s29+$0x6740] =	vst v3;
	v5 =	vmov v9  }
0xba: {  	s30 =	sadd.s32 $0x100, s30;
	v3 =	vld [tilespmem:s31+$0x6740];
	[tilespmem:s29+$0x6750] =	vst v7;
	v6 =	vmov v11;
	s29 =	smov.u32 s31  }
0xbb: {  	v7 =	vld [tilespmem:s29+$0x6750];
	_ =	sdelay $0x1  }
0xbc: {  	v2 =	vadd.f32 v5, v2  }
0xbd: {  	v4 =	vadd.f32 v6, v4  }
0xbe: {  	[tilespmem:s29+$0x6720] =	vst v2;
	v1 =	vadd.f32 v1, v3  }
0xbf: {  	[tilespmem:s29+$0x6730] =	vst v4;
	v0 =	vadd.f32 v0, v7  }
0xc0: {  	[tilespmem:s29+$0x6740] =	vst v1  }
0xc1: {  	[tilespmem:s29+$0x6750] =	vst v0  }
0xc2: {  	v5 =	vld [tilespmem:s28+$0xCB20]  }
0xc3: {  	v6 =	vld [tilespmem:s28+$0xCB30]  }
0xc4: {  	v1 =	vld [tilespmem:s28+$0xCB40]  }
0xc5: {  	v0 =	vld [tilespmem:s28+$0xCB50]  }
0xc6: {  	v3 =	vld [tilespmem:s28+$0x9920]  }
0xc7: {  	v4 =	vld [tilespmem:s28+$0x9930]  }
0xc8: {  	s29 =	simm.s32 $0x100;
	v2 =	vld [tilespmem:s28+$0x9940]  }
.LBB2_9:
0xc9: {  	s30 =	sshra.s32 s29, $0x2;
	p0 =	sne.s32 s29, $0xC700;
	v7 =	vld [tilespmem:s28+$0x9950];
	v8 =	vmov v1  }
0xca: {  	v9 =	vld [tilespmem:s30+$0xCB20];
	v10 =	vmov v0  }
0xcb: {  	v11 =	vld [tilespmem:s30+$0xCB30];
	v3 =	vadd.f32 v5, v3  }
.Ltmp3:
0xcc: {  	v1 =	vld [tilespmem:s30+$0xCB40];
	v4 =	vadd.f32 v6, v4;
	(pc) =	sbr.rel @p0 .LBB2_9-.Ltmp3, $4  }
0xcd: {  	v0 =	vld [tilespmem:s30+$0xCB50];
	[tilespmem:s28+$0x9920] =	vst v3;
	v2 =	vadd.f32 v8, v2  }
0xce: {  	v3 =	vld [tilespmem:s30+$0x9920];
	[tilespmem:s28+$0x9930] =	vst v4;
	v7 =	vadd.f32 v10, v7  }
0xcf: {  	v4 =	vld [tilespmem:s30+$0x9930];
	[tilespmem:s28+$0x9940] =	vst v2;
	v5 =	vmov v9  }
0xd0: {  	s29 =	sadd.s32 $0x100, s29;
	v2 =	vld [tilespmem:s30+$0x9940];
	[tilespmem:s28+$0x9950] =	vst v7;
	v6 =	vmov v11;
	s28 =	smov.u32 s30  }
0xd1: {  	v7 =	vld [tilespmem:s28+$0x9950];
	_ =	sdelay $0x1  }
0xd2: {  	s26 =	smulhi.u32 $0x51EB851F, s26;
	v3 =	vadd.f32 v5, v3  }
0xd3: {  	v4 =	vadd.f32 v6, v4  }
0xd4: {  	s26 =	sshrl.u32 s26, $0x6;
	[tilespmem:s28+$0x9920] =	vst v3;
	v1 =	vadd.f32 v1, v2  }
0xd5: {  	s25 =	sadd.s32 $0x1, s25;
	s26 =	smul.u32 $0x640, s26;
	[tilespmem:s28+$0x9930] =	vst v4;
	v0 =	vadd.f32 v0, v7  }
0xd6: {  	s30 =	rddreg [dreg:$0x2];
	p0 =	sne.s32 s25, $0x20;
	[tilespmem:s28+$0x9940] =	vst v1  }
.Ltmp4:
0xd7: {  	s31 =	simm.s32 $0x0;
	s26 =	sadd.s32 s30, s26;
	[tilespmem:s28+$0x9950] =	vst v0;
	(pc) =	sbr.rel @p0 .LBB2_2-.Ltmp4, $4  }
0xd8: {  	[hbm4b:s26+s31] =	stream.linear.scatter [tilespmem:s12], [sflag:$0x2], $0xC800, $0x38;
	[tilespmem:$0xFD20] =	vst v63  }
0xd9: {  	_ =	swait.ge [sflag:s10], $0xC800  }
0xda: {  	[sflag:s10] =	ssyncset.done $0x0  }
0xdb: {  	[sflag:s10] =	ssyncadd.s32 $0xFFFF3800  }
0xdc: {  	s26 =	rddreg [dreg:$0x6]  }
0xdd: {  	s25 =	rddreg [dreg:$0x5];
	s26 =	sadd.s32 $0x1, s26  }
0xde: {  	p0 =	sne.s32 s26, s25  }
.Ltmp5:
0xdf: {  	_ = 	snop;
	(pc) =	sbr.rel @p0 .LBB2_1-.Ltmp5, $1  }
0xe0: {  	_ =	sdelay $0x3  }
0xe1: {  	_ =	sfence.sel $0x180000  }
0xe2: {  	[bflag:$0x0] =	sbarrier.arrive $0xFFFF  }
0xe3: {  	_ =	strace $0x90000047  }
0xe4: {  	s0 =	stileid.u32;
	[bflag:$0x2] =	sbarrier.arrive $0xFFFF  }
0xe5: {  	p0 =	sne.s32 s0, $0x0;
	s0 =	rddreg [dreg:$0x3]  }
0xe6: {  	s0 =	sadd.s32 @!p0 $0x100000, s0  }
0xe7: {  	[sflag:s0] =	ssyncadd.tile.s32 @!p0 $0x1;
	_ =	shalt  }
.Lfunc_end2:
_tile_overlayer_lowered:
.L_overlay_start_2:
0xe8: {  	(tag) =	ssettag $0x2  }
0xe9: {  	s0 =	rddreg [dreg:$0x0];
	s2 =	stileid.u32  }
0xea: {  	s1 =	rddreg [dreg:$0x1];
	p0 =	sne.s32 s2, $0x0  }
0xeb: {  	s3 =	rddreg [dreg:$0x2];
	[bflag:$0x3] =	sbarrier.arrive $0xFFFF;
	s2 =	simm.s32 @!p0 $0x1C02  }
0xec: {  	[timem:s3], [sflag:s2] =	dma.local @!p0 [hbm:s0], s1  }
0xed: {  	s0 =	simm.s32 @!p0 $0x2  }
0xee: {  	_ =	swait.ge @!p0 [sflag:s0], s1  }
0xef: {  	s1 =	ssub.s32 @!p0 $0x0, s1;
	[sflag:s0] =	ssyncset.done @!p0 $0x0  }
0xf0: {  	[sflag:s0] =	ssyncadd.s32 @!p0 s1  }
0xf1: {  	[bflag:$0x3] =	sbarrier.arrive $0xFFFF  }
0xf2: {  	_ =	shalt  }

// kernel: sparse-core-data-format-call.cloned.1.call-start
scs
called_computation_lowered:
.L_overlay_start_0:
0x0: {  	s2 =	sld [smem:$0x3FD9]  }
0x1: {  	s3 =	sld [smem:$0x3FFE];
	_ =	sdelay $0x1  }
0x2: {  	s1 =	srdreg.scid  }
0x3: {  	s0 =	sand.u32 $0x1, s1  }
0x4: {  	s18 =	sshll.u32 s0, $0xA;
	s2 =	sadd.s32 s3, s2  }
0x5: {  	s2 =	sadd.s32 s2, s18  }
0x6: {  	[smem:$0x3FC5] =	sst s2  }
0x7: {  	_ = 	snop  }
0x8: {  	s2 =	sld [smem:$0x3FD0];
	(tm) =	ssettm $0x1  }
0x9: {  	s19 =	sld [smem:$0x3FFB];
	_ =	sdelay $0x3  }
0xa: {  	_ =	strace s19  }
0xb: {  	s3 =	sld [smem:$0x3FFC];
	_ =	sdelay $0x3  }
0xc: {  	_ =	strace s3  }
0xd: {  	s3 =	sld [smem:$0x3FFD];
	_ =	sdelay $0x3  }
0xe: {  	_ =	strace s3  }
0xf: {  	_ =	strace $0x8FFFFFFF  }
0x10: {  	s20 =	sld [smem:$0x3FDB];
	_ =	sdelay $0x1  }
0x11: {  	s4 =	simm.s32 $_scs_section_size  }
0x12: {  	s5 =	simm.s32 $_size__tile_overlayer_lowered;
	s6 =	simm.s32 $_tile_overlayer_lowered  }
0x13: {  	s23 =	simm.s32 $0x1BFF;
	s22 =	sshll.u32 s6, $0x1;
	s3 =	sadd.s32 s4, s20  }
0x14: {  	s7 =	simm.s32 $0x0;
	s21 =	sshll.u32 s5, $0x1;
	s5 =	sadd.s32 s22, s3  }
0x15: {  	[timem:s7], [sflag:s23] =	dma.local [hbm:s5], s21  }
0x16: {  	_ =	swait.ge [sflag:s23], s21  }
0x17: {  	s4 =	ssub.s32 $0x0, s21;
	[sflag:s23] =	ssyncset.done $0x0  }
0x18: {  	[sflag:s23] =	ssyncadd.s32 s4;
	_ =	sdelay $0x1  }
0x19: {  	s24 =	simm.s32 $0x1B8B  }
0x1a: {  	_ =	swait.ge [sflag:s24], $0x1  }
0x1b: {  	[sflag:s24] =	ssyncset.done $0x0  }
0x1c: {  	s26 =	simm.s32 $0x1B8E;
	s25 =	sld [smem:$0x3FFE];
	[sflag:s24] =	ssyncadd.s32 $0xFFFFFFFF  }
0x1d: {  	s27 =	simm.s32 $execute0_lowered;
	[smem:$0x3FD2] =	sst s26  }
0x1e: {  	s5 =	sshll.u32 s27, $0x1;
	_ =	strace $0x80000049;
	[dreg:$0x1] =	wrdreg $0xFFFFFFFF  }
0x1f: {  	s28 =	simm.s32 $_size_execute0_lowered;
	s3 =	sadd.s32 s3, s5;
	[dreg:$0x0] =	wrdreg $0x0  }
0x20: {  	s5 =	sshll.u32 s28, $0x1;
	[dreg:$0x2] =	wrdreg s3  }
0x21: {  	[dreg:$0x3] =	wrdreg s5  }
0x22: {  	[dreg:$0x4] =	wrdreg $0xC0  }
0x23: {  	_ =	task [dreg:s7], $0x5FFFF  }
0x24: {  	[dreg:$0x1] =	wrdreg $0xFFFFFFFF  }
0x25: {  	[dreg:$0x0] =	wrdreg $0x60  }
0x26: {  	[dreg:$0x2] =	wrdreg s25  }
0x27: {  	[dreg:$0x3] =	wrdreg s2  }
0x28: {  	[dreg:$0x4] =	wrdreg $0x9  }
0x29: {  	_ =	task.clear_ibuf [dreg:s7], $0x5FFFF;
	_ =	strace $0x90000049  }
0x2a: {  	s29 =	simm.s32 $0x9;
	_ =	strace $0x8000004B  }
0x2b: {  	_ =	swait.ge [sflag:s29], $0x1  }
0x2c: {  	[sflag:s29] =	ssyncadd.s32 $0xFFFFFFFF  }
0x2d: {  	_ =	strace $0x9000004B  }
0x2e: {  	_ =	sfence  }
0x2f: {  	s30 =	sld [smem:$0x0];
	_ =	sdelay $0x2  }
0x30: {  	s31 =	sshll.u32 s1, $0xD;
	s1 =	sshrl.u32 s1, $0x2  }
0x31: {  	s3 =	sand.u32 $0x4000, s31;
	s1 =	sadd.s32 s1, s30  }
0x32: {  	s0 =	sor.u32 s3, s0;
	s1 =	sshll.u32 s1, $0x11  }
0x33: {  	s0 =	sor.u32 s1, s0  }
0x34: {  	s0 =	sadd.s32 $0x8F2B, s0  }
0x35: {  	[sflag:s0] =	ssyncadd.remote.s32 $0x1  }
0x36: {  	_ =	sfence.sel $0xFFFF  }
0x37: {  	[dreg:$0x0] =	wrdreg $0xFFFFFFFF;
	(pc) =	sbr.abs _section_cstart, $3  }
0x38: {  	[dreg:$0x1] =	wrdreg $0xFFFFFFFF  }
0x39: {  	_ =	task.clear_ibuf [dreg:s7], $0x2FFFF;
	_ =	strace $0x9FFFFFFF  }
0x3a: {  	(tm) =	ssettm $0x7FFFFFFF  }
0x3b: {  	_ =	shalt  }
tec
execute0_lowered:
.L_overlay_start_1:
0x0: {  	(tag) =	ssettag $0x1  }
0x1: {  	s0 =	srdreg.scid  }
0x2: {  	s1 =	sshll.u32 s0, $0x4  }
0x3: {  	s0 =	stileid.u32;
	s1 =	sand.u32 $0x10, s1  }
0x4: {  	s1 =	sor.u32 s0, s1  }
0x5: {  	s6 =	rddreg [dreg:$0x0];
	s4 =	simm.s32 $0x1;
	s2 =	sshll.u32 s1, $0x7  }
0x6: {  	s7 =	simm.s32 $0x2;
	s12 =	simm.s32 $0x0;
	s1 =	ssub.s32 $0x1000, s2  }
0x7: {  	s8 =	simm.s32 $0x8000;
	s13 =	simm.s32 $0x0;
	s3 =	sand.u32 $0xF80, s1  }
0x8: {  	s9 =	simm.s32 $0x0;
	s5 =	sshrl.u32 s1, $0xC;
	p0 =	sne.s32 s3, $0x0  }
.Ltmp0:
0x9: {  	s1 =	rddreg [dreg:$0x2];
	s4 =	simm.s32 @!p0 $0x0;
	(pc) =	sbr.rel .LBB1_1-.Ltmp0, $4  }
0xa: {  	s11 =	simm.s32 $0x0;
	s3 =	rddreg [dreg:$0x1];
	s5 =	sadd.s32 s4, s5  }
0xb: {  	_ =	strace $0x8000004A;
	s4 =	simm.s32 $0x1;
	s5 =	smul.u32 $0xC8, s5  }
0xc: {  	s6 =	sadd.s32 $0xA00, s6;
	s10 =	smov.u32 s2;
	[sflag:s4] =	ssyncpa.u1 $0x0  }
0xd: {  	p0 =	por $0x0, $0x0;
	[sflag:s7] =	ssyncpa.u1 $0x0;
	s7 =	sor.u32 $0x1, s5  }
.LBB1_4:
0xe: {  	s16 =	sshll.u32 s13, $0x3;
	s17 =	sand.u32 $0x78, s13  }
0xf: {  	s30 =	sand.u32 $0x7E00, s13;
	s12 =	sshll.u32 s12, $0xF;
	s16 =	sand.u32 $0xC00, s16  }
0x10: {  	[tilespmem:s15+$0x810 ss:$0x81] =	vst.msk $0xffff, v2;
	s31 =	sand.u32 $0x7, s13;
	s16 =	sor.u32 s17, s16;
	s17 =	sadd.s32 s3, s30  }
0x11: {  	[tilespmem:s15+$0x1020 ss:$0x81] =	vst.msk $0xffff, v0;
	s13 =	sshll.u32 s31, $0x12;
	s12 =	sadd.s32 s12, s17;
	s16 =	sshrl.u32 s16, $0x3  }
0x12: {  	[tilespmem:s15+$0x0 ss:$0x81] =	vst.msk $0xffff, v1;
	s13 =	sor.u32 $0x400, s13;
	s12 =	sadd.s32 s16, s12  }
0x13: {  	[hbm4b:s12+s13] =	stream.strided.scatter [tilespmem:s14], [sflag:$0x2], $0x2000, s8, s13, $0x20;
	[tilespmem:$0x8080] =	vst v63  }
.LBB1_5:
0x14: {  	s14 =	sadd.s32 $0x1, s9  }
0x15: {  	s12 =	sadd.s32 $0x1000, s10;
	s16 =	smov.u32 s10;
	p2 =	sgt.s32 s14, $0xC7  }
0x16: {  	s16 =	smov.u32 @p2 s12  }
0x17: {  	s14 =	simm.s32 @p2 $0x0;
	p2 =	sgt.s32 s16, $0xFFF  }
0x18: {  	s16 =	smov.u32 @p2 s2;
	p2 =	sne.s32 s11, s7  }
.Ltmp1:
0x19: {  	p1 =	slt.u32 s11, $0x2;
	(pc) =	sbr.rel @!p2 .LBB1_6-.Ltmp1, $4  }
0x1a: {  	s15 =	simm.s32 @!p1 $0x2  }
0x1b: {  	s13 =	smov.u32 s10;
	p0 =	por !p0, !p0;
	_ =	swait.ge @!p1 [sflag:s15], $0x2000  }
0x1c: {  	s12 =	smov.u32 s9;
	[sflag:s15] =	ssyncset.done @!p1 $0x0;
	s9 =	smov.u32 s14  }
0x1d: {  	s11 =	sadd.s32 $0x1, s11;
	[sflag:s15] =	ssyncadd.s32 @!p1 $0xFFFFE000;
	s10 =	smov.u32 s16  }
.LBB1_1:
0x1e: {  	p1 =	sge.u32 s11, s5  }
0x1f: {  	s14 =	sand.u32 @!p1 $0x1FFFFFF, s9  }
0x20: {  	s15 =	smulhi.u32 @!p1 $0x147AE15, s14;
	_ =	sdelay $0x1  }
0x21: {  	s15 =	smul.u32 @!p1 $0xC8, s15  }
0x22: {  	s16 =	sxor.u32 @!p1 $0xFFFFFFFF, s11;
	s17 =	smul.u32 @!p1 $0xC80, s10  }
0x23: {  	s31 =	sadd.s32 $0xFFFFFFFF, s11;
	s16 =	sshll.u32 @!p1 s16, $0xD;
	s14 =	ssub.s32 @!p1 s14, s15  }
0x24: {  	s15 =	sand.u32 @!p1 $0x2000, s16;
	s16 =	sadd.s32 @!p1 s6, s17;
	s14 =	sshll.u32 @!p1 s14, $0x4  }
0x25: {  	s17 =	simm.s32 @!p1 $0x6400;
	s14 =	sadd.s32 @!p1 s14, s16;
	s16 =	simm.s32 @!p1 $0x40  }
0x26: {  	[tilespmem:s15], [sflag:$0x1] =	stream.strided.gather @!p1 [hbm4b:s14+s16], $0x2000, s17, s16, $0x38;
	[tilespmem:$0x8080] =	vst v63  }
0x27: {  	p1 =	sge.u32 s31, s5  }
.Ltmp2:
0x28: {  	_ = 	snop;
	(pc) =	sbr.rel @p1 .LBB1_5-.Ltmp2, $1  }
0x29: {  	_ =	sdelay $0x3  }
0x2a: {  	s14 =	simm.s32 $0x1  }
0x2b: {  	_ =	swait.ge [sflag:s4], $0x2000;
	s14 =	simm.s32 @!p0 $0x0  }
0x2c: {  	[sflag:s4] =	ssyncset.done $0x0;
	s15 =	sshll.u32 s14, $0xD  }
0x2d: {  	[sflag:s4] =	ssyncadd.s32 $0xFFFFE000;
	s18 =	sor.u32 $0x20, s15  }
0x2e: {  	s14 =	smul.u32 $0x8100, s14;
	v3 =	vld [tilespmem:s18+$0x10]  }
0x2f: {  	s30 =	sand.u32 $0x1, s11;
	v2 =	vld [tilespmem:s18+$0xFFFFFFF0]  }
0x30: {  	s15 =	smul.u32 $0x8100, s30;
	s14 =	sshrl.u32 s14, $0x2;
	v0 =	vld [tilespmem:s18+$0x0]  }
0x31: {  	v1 =	vld [tilespmem:s18+$0xFFFFFFE0];
	s16 =	sor.u32 $0x4000, s14  }
0x32: {  	s31 =	sshrl.u32 s15, $0x2;
	s15 =	sadd.s32 $0x0, s16  }
0x33: {  	s17 =	simm.s32 $0x4;
	s18 =	sadd.s32 $0x40, s18;
	s14 =	sor.u32 $0x4000, s31;
	[tilespmem:s15+$0x1830 ss:$0x81] =	vst.msk $0xffff, v3  }
.LBB1_3:
0x34: {  	v3 =	vld [tilespmem:s18+$0x10];
	p1 =	sne.s32 s17, $0x1FC;
	[tilespmem:s15+$0x810 ss:$0x81] =	vst.msk $0xffff, v2;
	s19 =	smov.u32 s17;
	s17 =	sadd.s32 $0x4, s17  }
.Ltmp3:
0x35: {  	v2 =	vld [tilespmem:s18+$0xFFFFFFF0];
	[tilespmem:s15+$0x1020 ss:$0x81] =	vst.msk $0xffff, v0;
	(pc) =	sbr.rel @p1 .LBB1_3-.Ltmp3, $4  }
0x36: {  	v0 =	vld [tilespmem:s18+$0x0];
	[tilespmem:s15+$0x0 ss:$0x81] =	vst.msk $0xffff, v1  }
0x37: {  	s15 =	sshra.s32 s19, $0x2;
	v1 =	vld [tilespmem:s18+$0xFFFFFFE0]  }
0x38: {  	s15 =	sadd.s32 s15, s16  }
0x39: {  	s18 =	sadd.s32 $0x40, s18;
	[tilespmem:s15+$0x1830 ss:$0x81] =	vst.msk $0xffff, v3  }
.Ltmp4:
0x3a: {  	_ = 	snop;
	(pc) =	sbr.rel .LBB1_4-.Ltmp4, $1  }
0x3b: {  	_ =	sdelay $0x3  }
.LBB1_6:
0x3c: {  	_ =	sfence.sel $0x180000  }
0x3d: {  	s2 =	simm.s32 $0x1;
	[bflag:$0x0] =	sbarrier.arrive $0xFFFF  }
0x3e: {  	s31 =	simm.s32 $0x2;
	[sflag:s2] =	ssyncpa.u1 $0x1  }
0x3f: {  	[sflag:s31] =	ssyncpa.u1 $0x1  }
0x40: {  	p0 =	sne.s32 s0, $0x0;
	_ =	strace $0x9000004A  }
0x41: {  	s0 =	sadd.s32 @!p0 $0x100000, s1;
	[bflag:$0x2] =	sbarrier.arrive $0xFFFF  }
0x42: {  	[sflag:s0] =	ssyncadd.tile.s32 @!p0 $0x1;
	_ =	shalt  }
.Lfunc_end1:
_tile_overlayer_lowered:
.L_overlay_start_2:
0x43: {  	(tag) =	ssettag $0x2  }
0x44: {  	s0 =	rddreg [dreg:$0x0];
	s2 =	stileid.u32  }
0x45: {  	s1 =	rddreg [dreg:$0x1];
	p0 =	sne.s32 s2, $0x0  }
0x46: {  	s3 =	rddreg [dreg:$0x2];
	[bflag:$0x3] =	sbarrier.arrive $0xFFFF;
	s2 =	simm.s32 @!p0 $0x1C01  }
0x47: {  	[timem:s3], [sflag:s2] =	dma.local @!p0 [hbm:s0], s1  }
0x48: {  	s0 =	simm.s32 @!p0 $0x1  }
0x49: {  	_ =	swait.ge @!p0 [sflag:s0], s1  }
0x4a: {  	s1 =	ssub.s32 @!p0 $0x0, s1;
	[sflag:s0] =	ssyncset.done @!p0 $0x0  }
0x4b: {  	[sflag:s0] =	ssyncadd.s32 @!p0 s1  }
0x4c: {  	[bflag:$0x3] =	sbarrier.arrive $0xFFFF  }
0x4d: {  	_ =	shalt  }

</sc_bundles>
